<compile_context>
chip_gen: v7x
topology: tpu7x:2x2x1
jax: 0.10.2.dev20260603
libtpu: 0.0.44.dev20260713+nightly
codegen_flags: <defaults>
</compile_context>

<pallas_src>
import functools

import jax
import jax.numpy as jnp
from jax import lax
from jax.experimental import pallas as pl
from jax.experimental.pallas import tpu as pltpu
from jax.experimental.pallas import tpu_sc as plsc

_DEPTH = 1000
_N = 4096
_S = 20
_ROWS = _S * _DEPTH
_CHUNK = 8
_NCHUNKS = _ROWS // _CHUNK
_NW = 32
_NSLOTS = 80

_mesh = plsc.VectorSubcoreMesh(core_axis_name="c", subcore_axis_name="s")


@functools.partial(
    pl.kernel,
    out_type=jax.ShapeDtypeStruct((_ROWS, _N), jnp.float32),
    mesh=_mesh,
    scratch_types=[
        pltpu.VMEM((_N,), jnp.int32),
        pltpu.VMEM((_CHUNK, _N), jnp.float32),
        pltpu.VMEM((_CHUNK, _N), jnp.float32),
        pltpu.SemaphoreType.DMA,
        pltpu.SemaphoreType.DMA,
    ],
)
def _sc_onehot(idxt_hbm, out_hbm, idx_v, buf0, buf1, sem0, sem1):
    wid = lax.axis_index("c") * 16 + lax.axis_index("s")
    bufs = (buf0, buf1)
    sems = (sem0, sem1)

    def work(slot, buf, sem):
        chunk = wid + _NW * slot

        @pl.when(chunk < _NCHUNKS)
        def _():
            @pl.when(slot >= 2)
            def _():
                pltpu.make_async_copy(
                    buf, out_hbm.at[pl.ds(0, _CHUNK)], sem).wait()

            row0 = chunk * _CHUNK
            s_idx = row0 // _DEPTH
            c0 = row0 - s_idx * _DEPTH
            pltpu.sync_copy(idxt_hbm.at[s_idx], idx_v)

            def vbody(v, c):
                xv = idx_v[pl.ds(v * 16, 16)]
                for k in range(_CHUNK):
                    cv = jnp.full((16,), c0 + k, jnp.int32)
                    oh = jnp.maximum(1 - jnp.abs(xv - cv), 0)
                    buf[k, pl.ds(v * 16, 16)] = oh.astype(jnp.float32)
                return c

            lax.fori_loop(0, _N // 16, vbody, 0)
            pltpu.make_async_copy(
                buf, out_hbm.at[pl.ds(row0, _CHUNK)], sem).start()

    def outer(it, carry):
        t = it * 2
        for b in range(2):
            work(t + b, bufs[b], sems[b])
        return carry

    lax.fori_loop(0, _NSLOTS // 2, outer, 0)
    for b in range(2):
        pltpu.make_async_copy(
            bufs[b], out_hbm.at[pl.ds(0, _CHUNK)], sems[b]).wait()


def kernel(indices):
    idxt = indices.astype(jnp.int32).T
    out = _sc_onehot(idxt)
    return out.reshape(_S, _DEPTH, _N).transpose(2, 0, 1)

# --- scband reference (transcript-rebuilt; emitter-appended) ---
"""Pipeline reference for scband-onehot-encoder-20976620274231 (READ-ONLY COPY).

The authoritative reference and input builder live on the scoring server;
editing this copy changes nothing except your own understanding.
"""

import jax, jax.numpy as jnp
import numpy as np

DEPTH = 1000

def setup_inputs(seed: int = 0) -> dict:
    key = jax.random.key(seed)
    indices = jax.random.randint(key, (4096, 20), 0, DEPTH, dtype=jnp.int32).astype(jnp.int64)
    return {"indices": indices}

def reference(indices):
    # Faithful translation of OnehotEncoder.call:
    #   inputs = tf.cast(inputs, 'int32')
    #   if rank 3: take [:, :, 0]  (rank is 2 here)
    #   return tf.one_hot(inputs, depth=self.depth)
    idx = indices.astype(jnp.int32)
    if idx.ndim == 3:
        idx = idx[:, :, 0]
    return jax.nn.one_hot(idx, DEPTH, dtype=jnp.float32)

if __name__ == "__main__":
    import jax
    _d = setup_inputs()
    print(jax.jit(kernel)(*tuple(_d.values())))

</pallas_src>

<mosaic_0001>
#map = affine_map<(d0, d1) -> (0, 0)>
module attributes {stable_mosaic.version = 14 : i64} {
  func.func @_sc_onehot(%arg0: i32, %arg1: i32, %arg2: memref<20x4096xi32, #tpu.memory_space<hbm>>, %arg3: memref<20000x4096xf32, #tpu.memory_space<hbm>>, %arg4: memref<4096xi32, #tpu.memory_space<vmem>>, %arg5: memref<8x4096xf32, #tpu.memory_space<vmem>>, %arg6: memref<8x4096xf32, #tpu.memory_space<vmem>>, %arg7: memref<!tpu.dma_semaphore, #tpu.memory_space<semaphore_mem>>, %arg8: memref<!tpu.dma_semaphore, #tpu.memory_space<semaphore_mem>>) attributes {dimension_semantics = [#tpu.dimension_semantics<core_parallel>, #tpu.dimension_semantics<subcore_parallel>], iteration_bounds = array<i64: 2, 16>, scalar_prefetch = 0 : i64, scratch_operands = 5 : i64, tpu.core_type = #tpu.core_type<sc_vector_subcore>, window_params = [{transform_indices = #map}, {transform_indices = #map}]} {
    %mul3A = arith.constant 16 : i32
    %mul3A_0 = arith.muli %arg0, %mul3A : i32
    %add3A = arith.addi %mul3A_0, %arg1 : i32
    %scan3A = arith.constant 0 : i32
    %scan3A_1 = arith.constant 0 : i32
    %scan3A_2 = arith.constant 40 : i32
    %scan3A_3 = arith.addi %scan3A_1, %scan3A_2 : i32
    %scan3A_4 = arith.constant 1 : i32
    scf.for %scan3A_17 = %scan3A_1 to %scan3A_3 step %scan3A_4  : i32 {
      %mul3A_18 = arith.constant 2 : i32
      %mul3A_19 = arith.muli %scan3A_17, %mul3A_18 : i32
      %add3A_20 = arith.constant 0 : i32
      %add3A_21 = arith.addi %mul3A_19, %add3A_20 : i32
      %mul3A_22 = arith.constant 32 : i32
      %mul3A_23 = arith.muli %mul3A_22, %add3A_21 : i32
      %add3A_24 = arith.addi %add3A, %mul3A_23 : i32
      %lt3A = arith.constant 2500 : i32
      %lt3A_25 = arith.cmpi slt, %add3A_24, %lt3A : i32
      %convert_element_type3A = arith.extui %lt3A_25 : i1 to i32
      %cond3A = arith.constant 0 : i32
      %cond3A_26 = arith.cmpi ne, %convert_element_type3A, %cond3A : i32
      scf.if %cond3A_26 {
        %ge3A = arith.constant 2 : i32
        %ge3A_37 = arith.cmpi sge, %add3A_21, %ge3A : i32
        %convert_element_type3A_38 = arith.extui %ge3A_37 : i1 to i32
        %cond3A_39 = arith.constant 0 : i32
        %cond3A_40 = arith.cmpi ne, %convert_element_type3A_38, %cond3A_39 : i32
        scf.if %cond3A_40 {
          %dma_wait3A_71 = arith.constant 0 : i32
          %dma_wait3A_72 = arith.constant 0 : i32
          %dma_wait3A_73 = tpu.memref_slice %arg3[%dma_wait3A_71, %dma_wait3A_72] : memref<20000x4096xf32, #tpu.memory_space<hbm>> -> memref<8x4096xf32, #tpu.memory_space<hbm>>
          %dma_wait3A_74 = arith.constant 0 : i32
          %dma_wait3A_75 = arith.constant 0 : i32
          %dma_wait3A_76 = tpu.memref_slice %arg3[%dma_wait3A_74, %dma_wait3A_75] : memref<20000x4096xf32, #tpu.memory_space<hbm>> -> memref<8x4096xf32, #tpu.memory_space<hbm>>
          tpu.wait_dma2 semaphore(%arg7 : memref<!tpu.dma_semaphore, #tpu.memory_space<semaphore_mem>>) src(%arg5 : memref<8x4096xf32, #tpu.memory_space<vmem>>) dst(%dma_wait3A_76 : memref<8x4096xf32, #tpu.memory_space<hbm>>)
        } else {
        }
        %mul3A_41 = arith.constant 8 : i32
        %mul3A_42 = arith.muli %add3A_24, %mul3A_41 : i32
        %jit3A = arith.constant 1000 : i32
        %div3A = arith.divsi %mul3A_42, %jit3A : i32
        %sign3A = arith.constant 0 : i32
        %sign3A_43 = arith.cmpi sgt, %mul3A_42, %sign3A : i32
        %sign3A_44 = arith.extui %sign3A_43 : i1 to i32
        %sign3A_45 = arith.constant 0 : i32
        %sign3A_46 = arith.cmpi slt, %mul3A_42, %sign3A_45 : i32
        %sign3A_47 = arith.extui %sign3A_46 : i1 to i32
        %sign3A_48 = arith.subi %sign3A_44, %sign3A_47 : i32
        %sign3A_49 = arith.constant 0 : i32
        %sign3A_50 = arith.cmpi sgt, %jit3A, %sign3A_49 : i32
        %sign3A_51 = arith.extui %sign3A_50 : i1 to i32
        %sign3A_52 = arith.constant 0 : i32
        %sign3A_53 = arith.cmpi slt, %jit3A, %sign3A_52 : i32
        %sign3A_54 = arith.extui %sign3A_53 : i1 to i32
        %sign3A_55 = arith.subi %sign3A_51, %sign3A_54 : i32
        %ne3A = arith.cmpi ne, %sign3A_48, %sign3A_55 : i32
        %rem3A = arith.remsi %mul3A_42, %jit3A : i32
        %ne3A_56 = arith.constant 0 : i32
        %ne3A_57 = arith.cmpi ne, %rem3A, %ne3A_56 : i32
        %and3A = arith.andi %ne3A, %ne3A_57 : i1
        %sub3A = arith.constant 1 : i32
        %sub3A_58 = arith.subi %div3A, %sub3A : i32
        %select_n3A = arith.select %and3A, %sub3A_58, %div3A : i32
        %mul3A_59 = arith.constant 1000 : i32
        %mul3A_60 = arith.muli %select_n3A, %mul3A_59 : i32
        %sub3A_61 = arith.subi %mul3A_42, %mul3A_60 : i32
        "tpu.region"() ({
          %run_scoped3A = tpu.sem_alloc : memref<!tpu.dma_semaphore, #tpu.memory_space<semaphore_mem>>
          %dma_start3A_71 = arith.constant 0 : i32
          %dma_start3A_72 = tpu.memref_slice %arg2[%select_n3A, %dma_start3A_71] : memref<20x4096xi32, #tpu.memory_space<hbm>> -> memref<1x4096xi32, #tpu.memory_space<hbm>>
          %dma_start3A_73 = tpu.memref_squeeze %dma_start3A_72 : memref<1x4096xi32, #tpu.memory_space<hbm>> -> memref<4096xi32, #tpu.memory_space<hbm>>
          %dma_start3A_74 = arith.constant 0 : i32
          %dma_start3A_75 = tpu.memref_slice %arg2[%select_n3A, %dma_start3A_74] : memref<20x4096xi32, #tpu.memory_space<hbm>> -> memref<1x4096xi32, #tpu.memory_space<hbm>>
          %dma_start3A_76 = tpu.memref_squeeze %dma_start3A_75 : memref<1x4096xi32, #tpu.memory_space<hbm>> -> memref<4096xi32, #tpu.memory_space<hbm>>
          tpu.enqueue_dma source(%dma_start3A_76 : memref<4096xi32, #tpu.memory_space<hbm>>) target(%arg4 : memref<4096xi32, #tpu.memory_space<vmem>>) target_semaphore(%run_scoped3A : memref<!tpu.dma_semaphore, #tpu.memory_space<semaphore_mem>>)
          %dma_wait3A_77 = arith.constant 0 : i32
          %dma_wait3A_78 = tpu.memref_slice %arg2[%select_n3A, %dma_wait3A_77] : memref<20x4096xi32, #tpu.memory_space<hbm>> -> memref<1x4096xi32, #tpu.memory_space<hbm>>
          %dma_wait3A_79 = tpu.memref_squeeze %dma_wait3A_78 : memref<1x4096xi32, #tpu.memory_space<hbm>> -> memref<4096xi32, #tpu.memory_space<hbm>>
          %dma_wait3A_80 = arith.constant 0 : i32
          %dma_wait3A_81 = tpu.memref_slice %arg2[%select_n3A, %dma_wait3A_80] : memref<20x4096xi32, #tpu.memory_space<hbm>> -> memref<1x4096xi32, #tpu.memory_space<hbm>>
          %dma_wait3A_82 = tpu.memref_squeeze %dma_wait3A_81 : memref<1x4096xi32, #tpu.memory_space<hbm>> -> memref<4096xi32, #tpu.memory_space<hbm>>
          tpu.wait_dma2 semaphore(%run_scoped3A : memref<!tpu.dma_semaphore, #tpu.memory_space<semaphore_mem>>) src(%dma_wait3A_82 : memref<4096xi32, #tpu.memory_space<hbm>>) dst(%arg4 : memref<4096xi32, #tpu.memory_space<vmem>>)
          tpu.yield
        }) : () -> ()
        %scan3A_62 = arith.constant 0 : i32
        %scan3A_63 = arith.constant 0 : i32
        %scan3A_64 = arith.constant 256 : i32
        %scan3A_65 = arith.addi %scan3A_63, %scan3A_64 : i32
        %scan3A_66 = arith.constant 1 : i32
        scf.for %scan3A_71 = %scan3A_63 to %scan3A_65 step %scan3A_66  : i32 {
          %mul3A_72 = arith.constant 16 : i32
          %mul3A_73 = arith.muli %scan3A_71, %mul3A_72 : i32
          %get3A = arith.index_cast %mul3A_73 : i32 to index
          %get3A_74 = tpu.vector_load %arg4[%get3A] {strides = array<i32>} : memref<4096xi32, #tpu.memory_space<vmem>>, vector<16xi32>,
          %get3A_75 = vector.shape_cast %get3A_74 : vector<16xi32> to vector<16xi32>
          %add3A_76 = arith.constant 0 : i32
          %add3A_77 = arith.addi %sub3A_61, %add3A_76 : i32
          %broadcast_in_dim3A = vector.broadcast %add3A_77 : i32 to vector<16xi32>
          %sub3A_78 = arith.subi %get3A_75, %broadcast_in_dim3A : vector<16xi32>
          %abs3A = math.absi %sub3A_78 : vector<16xi32>
          %sub3A_79 = arith.constant 1 : i32
          %sub3A_80 = vector.broadcast %sub3A_79 : i32 to vector<16xi32>
          %sub3A_81 = arith.subi %sub3A_80, %abs3A : vector<16xi32>
          %max3A = arith.constant 0 : i32
          %max3A_82 = vector.broadcast %max3A : i32 to vector<16xi32>
          %max3A_83 = arith.maxsi %sub3A_81, %max3A_82 : vector<16xi32>
          %convert_element_type3A_84 = arith.sitofp %max3A_83 : vector<16xi32> to vector<16xf32>
          %mul3A_85 = arith.constant 16 : i32
          %mul3A_86 = arith.muli %scan3A_71, %mul3A_85 : i32
          %swap3A = arith.constant 0 : i32
          %swap3A_87 = arith.index_cast %swap3A : i32 to index
          %swap3A_88 = arith.index_cast %mul3A_86 : i32 to index
          %swap3A_89 = tpu.vector_load %arg5[%swap3A_87, %swap3A_88] {strides = array<i32>} : memref<8x4096xf32, #tpu.memory_space<vmem>>, vector<1x16xf32>,
          %swap3A_90 = vector.shape_cast %swap3A_89 : vector<1x16xf32> to vector<16xf32>
          %swap3A_91 = vector.shape_cast %convert_element_type3A_84 : vector<16xf32> to vector<1x16xf32>
          tpu.vector_store %arg5[%swap3A_87, %swap3A_88], %swap3A_91 {strides = array<i32>} : memref<8x4096xf32, #tpu.memory_space<vmem>>, vector<1x16xf32>,
          %add3A_92 = arith.constant 1 : i32
          %add3A_93 = arith.addi %sub3A_61, %add3A_92 : i32
          %broadcast_in_dim3A_94 = vector.broadcast %add3A_93 : i32 to vector<16xi32>
          %sub3A_95 = arith.subi %get3A_75, %broadcast_in_dim3A_94 : vector<16xi32>
          %abs3A_96 = math.absi %sub3A_95 : vector<16xi32>
          %sub3A_97 = arith.constant 1 : i32
          %sub3A_98 = vector.broadcast %sub3A_97 : i32 to vector<16xi32>
          %sub3A_99 = arith.subi %sub3A_98, %abs3A_96 : vector<16xi32>
          %max3A_100 = arith.constant 0 : i32
          %max3A_101 = vector.broadcast %max3A_100 : i32 to vector<16xi32>
          %max3A_102 = arith.maxsi %sub3A_99, %max3A_101 : vector<16xi32>
          %convert_element_type3A_103 = arith.sitofp %max3A_102 : vector<16xi32> to vector<16xf32>
          %mul3A_104 = arith.constant 16 : i32
          %mul3A_105 = arith.muli %scan3A_71, %mul3A_104 : i32
          %swap3A_106 = arith.constant 1 : i32
          %swap3A_107 = arith.index_cast %swap3A_106 : i32 to index
          %swap3A_108 = arith.index_cast %mul3A_105 : i32 to index
          %swap3A_109 = tpu.vector_load %arg5[%swap3A_107, %swap3A_108] {strides = array<i32>} : memref<8x4096xf32, #tpu.memory_space<vmem>>, vector<1x16xf32>,
          %swap3A_110 = vector.shape_cast %swap3A_109 : vector<1x16xf32> to vector<16xf32>
          %swap3A_111 = vector.shape_cast %convert_element_type3A_103 : vector<16xf32> to vector<1x16xf32>
          tpu.vector_store %arg5[%swap3A_107, %swap3A_108], %swap3A_111 {strides = array<i32>} : memref<8x4096xf32, #tpu.memory_space<vmem>>, vector<1x16xf32>,
          %add3A_112 = arith.constant 2 : i32
          %add3A_113 = arith.addi %sub3A_61, %add3A_112 : i32
          %broadcast_in_dim3A_114 = vector.broadcast %add3A_113 : i32 to vector<16xi32>
          %sub3A_115 = arith.subi %get3A_75, %broadcast_in_dim3A_114 : vector<16xi32>
          %abs3A_116 = math.absi %sub3A_115 : vector<16xi32>
          %sub3A_117 = arith.constant 1 : i32
          %sub3A_118 = vector.broadcast %sub3A_117 : i32 to vector<16xi32>
          %sub3A_119 = arith.subi %sub3A_118, %abs3A_116 : vector<16xi32>
          %max3A_120 = arith.constant 0 : i32
          %max3A_121 = vector.broadcast %max3A_120 : i32 to vector<16xi32>
          %max3A_122 = arith.maxsi %sub3A_119, %max3A_121 : vector<16xi32>
          %convert_element_type3A_123 = arith.sitofp %max3A_122 : vector<16xi32> to vector<16xf32>
          %mul3A_124 = arith.constant 16 : i32
          %mul3A_125 = arith.muli %scan3A_71, %mul3A_124 : i32
          %swap3A_126 = arith.constant 2 : i32
          %swap3A_127 = arith.index_cast %swap3A_126 : i32 to index
          %swap3A_128 = arith.index_cast %mul3A_125 : i32 to index
          %swap3A_129 = tpu.vector_load %arg5[%swap3A_127, %swap3A_128] {strides = array<i32>} : memref<8x4096xf32, #tpu.memory_space<vmem>>, vector<1x16xf32>,
          %swap3A_130 = vector.shape_cast %swap3A_129 : vector<1x16xf32> to vector<16xf32>
          %swap3A_131 = vector.shape_cast %convert_element_type3A_123 : vector<16xf32> to vector<1x16xf32>
          tpu.vector_store %arg5[%swap3A_127, %swap3A_128], %swap3A_131 {strides = array<i32>} : memref<8x4096xf32, #tpu.memory_space<vmem>>, vector<1x16xf32>,
          %add3A_132 = arith.constant 3 : i32
          %add3A_133 = arith.addi %sub3A_61, %add3A_132 : i32
          %broadcast_in_dim3A_134 = vector.broadcast %add3A_133 : i32 to vector<16xi32>
          %sub3A_135 = arith.subi %get3A_75, %broadcast_in_dim3A_134 : vector<16xi32>
          %abs3A_136 = math.absi %sub3A_135 : vector<16xi32>
          %sub3A_137 = arith.constant 1 : i32
          %sub3A_138 = vector.broadcast %sub3A_137 : i32 to vector<16xi32>
          %sub3A_139 = arith.subi %sub3A_138, %abs3A_136 : vector<16xi32>
          %max3A_140 = arith.constant 0 : i32
          %max3A_141 = vector.broadcast %max3A_140 : i32 to vector<16xi32>
          %max3A_142 = arith.maxsi %sub3A_139, %max3A_141 : vector<16xi32>
          %convert_element_type3A_143 = arith.sitofp %max3A_142 : vector<16xi32> to vector<16xf32>
          %mul3A_144 = arith.constant 16 : i32
          %mul3A_145 = arith.muli %scan3A_71, %mul3A_144 : i32
          %swap3A_146 = arith.constant 3 : i32
          %swap3A_147 = arith.index_cast %swap3A_146 : i32 to index
          %swap3A_148 = arith.index_cast %mul3A_145 : i32 to index
          %swap3A_149 = tpu.vector_load %arg5[%swap3A_147, %swap3A_148] {strides = array<i32>} : memref<8x4096xf32, #tpu.memory_space<vmem>>, vector<1x16xf32>,
          %swap3A_150 = vector.shape_cast %swap3A_149 : vector<1x16xf32> to vector<16xf32>
          %swap3A_151 = vector.shape_cast %convert_element_type3A_143 : vector<16xf32> to vector<1x16xf32>
          tpu.vector_store %arg5[%swap3A_147, %swap3A_148], %swap3A_151 {strides = array<i32>} : memref<8x4096xf32, #tpu.memory_space<vmem>>, vector<1x16xf32>,
          %add3A_152 = arith.constant 4 : i32
          %add3A_153 = arith.addi %sub3A_61, %add3A_152 : i32
          %broadcast_in_dim3A_154 = vector.broadcast %add3A_153 : i32 to vector<16xi32>
          %sub3A_155 = arith.subi %get3A_75, %broadcast_in_dim3A_154 : vector<16xi32>
          %abs3A_156 = math.absi %sub3A_155 : vector<16xi32>
          %sub3A_157 = arith.constant 1 : i32
          %sub3A_158 = vector.broadcast %sub3A_157 : i32 to vector<16xi32>
          %sub3A_159 = arith.subi %sub3A_158, %abs3A_156 : vector<16xi32>
          %max3A_160 = arith.constant 0 : i32
          %max3A_161 = vector.broadcast %max3A_160 : i32 to vector<16xi32>
          %max3A_162 = arith.maxsi %sub3A_159, %max3A_161 : vector<16xi32>
          %convert_element_type3A_163 = arith.sitofp %max3A_162 : vector<16xi32> to vector<16xf32>
          %mul3A_164 = arith.constant 16 : i32
          %mul3A_165 = arith.muli %scan3A_71, %mul3A_164 : i32
          %swap3A_166 = arith.constant 4 : i32
          %swap3A_167 = arith.index_cast %swap3A_166 : i32 to index
          %swap3A_168 = arith.index_cast %mul3A_165 : i32 to index
          %swap3A_169 = tpu.vector_load %arg5[%swap3A_167, %swap3A_168] {strides = array<i32>} : memref<8x4096xf32, #tpu.memory_space<vmem>>, vector<1x16xf32>,
          %swap3A_170 = vector.shape_cast %swap3A_169 : vector<1x16xf32> to vector<16xf32>
          %swap3A_171 = vector.shape_cast %convert_element_type3A_163 : vector<16xf32> to vector<1x16xf32>
          tpu.vector_store %arg5[%swap3A_167, %swap3A_168], %swap3A_171 {strides = array<i32>} : memref<8x4096xf32, #tpu.memory_space<vmem>>, vector<1x16xf32>,
          %add3A_172 = arith.constant 5 : i32
          %add3A_173 = arith.addi %sub3A_61, %add3A_172 : i32
          %broadcast_in_dim3A_174 = vector.broadcast %add3A_173 : i32 to vector<16xi32>
          %sub3A_175 = arith.subi %get3A_75, %broadcast_in_dim3A_174 : vector<16xi32>
          %abs3A_176 = math.absi %sub3A_175 : vector<16xi32>
          %sub3A_177 = arith.constant 1 : i32
          %sub3A_178 = vector.broadcast %sub3A_177 : i32 to vector<16xi32>
          %sub3A_179 = arith.subi %sub3A_178, %abs3A_176 : vector<16xi32>
          %max3A_180 = arith.constant 0 : i32
          %max3A_181 = vector.broadcast %max3A_180 : i32 to vector<16xi32>
          %max3A_182 = arith.maxsi %sub3A_179, %max3A_181 : vector<16xi32>
          %convert_element_type3A_183 = arith.sitofp %max3A_182 : vector<16xi32> to vector<16xf32>
          %mul3A_184 = arith.constant 16 : i32
          %mul3A_185 = arith.muli %scan3A_71, %mul3A_184 : i32
          %swap3A_186 = arith.constant 5 : i32
          %swap3A_187 = arith.index_cast %swap3A_186 : i32 to index
          %swap3A_188 = arith.index_cast %mul3A_185 : i32 to index
          %swap3A_189 = tpu.vector_load %arg5[%swap3A_187, %swap3A_188] {strides = array<i32>} : memref<8x4096xf32, #tpu.memory_space<vmem>>, vector<1x16xf32>,
          %swap3A_190 = vector.shape_cast %swap3A_189 : vector<1x16xf32> to vector<16xf32>
          %swap3A_191 = vector.shape_cast %convert_element_type3A_183 : vector<16xf32> to vector<1x16xf32>
          tpu.vector_store %arg5[%swap3A_187, %swap3A_188], %swap3A_191 {strides = array<i32>} : memref<8x4096xf32, #tpu.memory_space<vmem>>, vector<1x16xf32>,
          %add3A_192 = arith.constant 6 : i32
          %add3A_193 = arith.addi %sub3A_61, %add3A_192 : i32
          %broadcast_in_dim3A_194 = vector.broadcast %add3A_193 : i32 to vector<16xi32>
          %sub3A_195 = arith.subi %get3A_75, %broadcast_in_dim3A_194 : vector<16xi32>
          %abs3A_196 = math.absi %sub3A_195 : vector<16xi32>
          %sub3A_197 = arith.constant 1 : i32
          %sub3A_198 = vector.broadcast %sub3A_197 : i32 to vector<16xi32>
          %sub3A_199 = arith.subi %sub3A_198, %abs3A_196 : vector<16xi32>
          %max3A_200 = arith.constant 0 : i32
          %max3A_201 = vector.broadcast %max3A_200 : i32 to vector<16xi32>
          %max3A_202 = arith.maxsi %sub3A_199, %max3A_201 : vector<16xi32>
          %convert_element_type3A_203 = arith.sitofp %max3A_202 : vector<16xi32> to vector<16xf32>
          %mul3A_204 = arith.constant 16 : i32
          %mul3A_205 = arith.muli %scan3A_71, %mul3A_204 : i32
          %swap3A_206 = arith.constant 6 : i32
          %swap3A_207 = arith.index_cast %swap3A_206 : i32 to index
          %swap3A_208 = arith.index_cast %mul3A_205 : i32 to index
          %swap3A_209 = tpu.vector_load %arg5[%swap3A_207, %swap3A_208] {strides = array<i32>} : memref<8x4096xf32, #tpu.memory_space<vmem>>, vector<1x16xf32>,
          %swap3A_210 = vector.shape_cast %swap3A_209 : vector<1x16xf32> to vector<16xf32>
          %swap3A_211 = vector.shape_cast %convert_element_type3A_203 : vector<16xf32> to vector<1x16xf32>
          tpu.vector_store %arg5[%swap3A_207, %swap3A_208], %swap3A_211 {strides = array<i32>} : memref<8x4096xf32, #tpu.memory_space<vmem>>, vector<1x16xf32>,
          %add3A_212 = arith.constant 7 : i32
          %add3A_213 = arith.addi %sub3A_61, %add3A_212 : i32
          %broadcast_in_dim3A_214 = vector.broadcast %add3A_213 : i32 to vector<16xi32>
          %sub3A_215 = arith.subi %get3A_75, %broadcast_in_dim3A_214 : vector<16xi32>
          %abs3A_216 = math.absi %sub3A_215 : vector<16xi32>
          %sub3A_217 = arith.constant 1 : i32
          %sub3A_218 = vector.broadcast %sub3A_217 : i32 to vector<16xi32>
          %sub3A_219 = arith.subi %sub3A_218, %abs3A_216 : vector<16xi32>
          %max3A_220 = arith.constant 0 : i32
          %max3A_221 = vector.broadcast %max3A_220 : i32 to vector<16xi32>
          %max3A_222 = arith.maxsi %sub3A_219, %max3A_221 : vector<16xi32>
          %convert_element_type3A_223 = arith.sitofp %max3A_222 : vector<16xi32> to vector<16xf32>
          %mul3A_224 = arith.constant 16 : i32
          %mul3A_225 = arith.muli %scan3A_71, %mul3A_224 : i32
          %swap3A_226 = arith.constant 7 : i32
          %swap3A_227 = arith.index_cast %swap3A_226 : i32 to index
          %swap3A_228 = arith.index_cast %mul3A_225 : i32 to index
          %swap3A_229 = tpu.vector_load %arg5[%swap3A_227, %swap3A_228] {strides = array<i32>} : memref<8x4096xf32, #tpu.memory_space<vmem>>, vector<1x16xf32>,
          %swap3A_230 = vector.shape_cast %swap3A_229 : vector<1x16xf32> to vector<16xf32>
          %swap3A_231 = vector.shape_cast %convert_element_type3A_223 : vector<16xf32> to vector<1x16xf32>
          tpu.vector_store %arg5[%swap3A_227, %swap3A_228], %swap3A_231 {strides = array<i32>} : memref<8x4096xf32, #tpu.memory_space<vmem>>, vector<1x16xf32>,
        }
        %scan3A_67 = arith.constant 256 : i32
        %dma_start3A = arith.constant 0 : i32
        %dma_start3A_68 = tpu.memref_slice %arg3[%mul3A_42, %dma_start3A] : memref<20000x4096xf32, #tpu.memory_space<hbm>> -> memref<8x4096xf32, #tpu.memory_space<hbm>>
        %dma_start3A_69 = arith.constant 0 : i32
        %dma_start3A_70 = tpu.memref_slice %arg3[%mul3A_42, %dma_start3A_69] : memref<20000x4096xf32, #tpu.memory_space<hbm>> -> memref<8x4096xf32, #tpu.memory_space<hbm>>
        tpu.enqueue_dma source(%arg5 : memref<8x4096xf32, #tpu.memory_space<vmem>>) target(%dma_start3A_70 : memref<8x4096xf32, #tpu.memory_space<hbm>>) target_semaphore(%arg7 : memref<!tpu.dma_semaphore, #tpu.memory_space<semaphore_mem>>)
      } else {
      }
      %add3A_27 = arith.constant 1 : i32
      %add3A_28 = arith.addi %mul3A_19, %add3A_27 : i32
      %mul3A_29 = arith.constant 32 : i32
      %mul3A_30 = arith.muli %mul3A_29, %add3A_28 : i32
      %add3A_31 = arith.addi %add3A, %mul3A_30 : i32
      %lt3A_32 = arith.constant 2500 : i32
      %lt3A_33 = arith.cmpi slt, %add3A_31, %lt3A_32 : i32
      %convert_element_type3A_34 = arith.extui %lt3A_33 : i1 to i32
      %cond3A_35 = arith.constant 0 : i32
      %cond3A_36 = arith.cmpi ne, %convert_element_type3A_34, %cond3A_35 : i32
      scf.if %cond3A_36 {
        %ge3A = arith.constant 2 : i32
        %ge3A_37 = arith.cmpi sge, %add3A_28, %ge3A : i32
        %convert_element_type3A_38 = arith.extui %ge3A_37 : i1 to i32
        %cond3A_39 = arith.constant 0 : i32
        %cond3A_40 = arith.cmpi ne, %convert_element_type3A_38, %cond3A_39 : i32
        scf.if %cond3A_40 {
          %dma_wait3A_71 = arith.constant 0 : i32
          %dma_wait3A_72 = arith.constant 0 : i32
          %dma_wait3A_73 = tpu.memref_slice %arg3[%dma_wait3A_71, %dma_wait3A_72] : memref<20000x4096xf32, #tpu.memory_space<hbm>> -> memref<8x4096xf32, #tpu.memory_space<hbm>>
          %dma_wait3A_74 = arith.constant 0 : i32
          %dma_wait3A_75 = arith.constant 0 : i32
          %dma_wait3A_76 = tpu.memref_slice %arg3[%dma_wait3A_74, %dma_wait3A_75] : memref<20000x4096xf32, #tpu.memory_space<hbm>> -> memref<8x4096xf32, #tpu.memory_space<hbm>>
          tpu.wait_dma2 semaphore(%arg8 : memref<!tpu.dma_semaphore, #tpu.memory_space<semaphore_mem>>) src(%arg6 : memref<8x4096xf32, #tpu.memory_space<vmem>>) dst(%dma_wait3A_76 : memref<8x4096xf32, #tpu.memory_space<hbm>>)
        } else {
        }
        %mul3A_41 = arith.constant 8 : i32
        %mul3A_42 = arith.muli %add3A_31, %mul3A_41 : i32
        %jit3A = arith.constant 1000 : i32
        %div3A = arith.divsi %mul3A_42, %jit3A : i32
        %sign3A = arith.constant 0 : i32
        %sign3A_43 = arith.cmpi sgt, %mul3A_42, %sign3A : i32
        %sign3A_44 = arith.extui %sign3A_43 : i1 to i32
        %sign3A_45 = arith.constant 0 : i32
        %sign3A_46 = arith.cmpi slt, %mul3A_42, %sign3A_45 : i32
        %sign3A_47 = arith.extui %sign3A_46 : i1 to i32
        %sign3A_48 = arith.subi %sign3A_44, %sign3A_47 : i32
        %sign3A_49 = arith.constant 0 : i32
        %sign3A_50 = arith.cmpi sgt, %jit3A, %sign3A_49 : i32
        %sign3A_51 = arith.extui %sign3A_50 : i1 to i32
        %sign3A_52 = arith.constant 0 : i32
        %sign3A_53 = arith.cmpi slt, %jit3A, %sign3A_52 : i32
        %sign3A_54 = arith.extui %sign3A_53 : i1 to i32
        %sign3A_55 = arith.subi %sign3A_51, %sign3A_54 : i32
        %ne3A = arith.cmpi ne, %sign3A_48, %sign3A_55 : i32
        %rem3A = arith.remsi %mul3A_42, %jit3A : i32
        %ne3A_56 = arith.constant 0 : i32
        %ne3A_57 = arith.cmpi ne, %rem3A, %ne3A_56 : i32
        %and3A = arith.andi %ne3A, %ne3A_57 : i1
        %sub3A = arith.constant 1 : i32
        %sub3A_58 = arith.subi %div3A, %sub3A : i32
        %select_n3A = arith.select %and3A, %sub3A_58, %div3A : i32
        %mul3A_59 = arith.constant 1000 : i32
        %mul3A_60 = arith.muli %select_n3A, %mul3A_59 : i32
        %sub3A_61 = arith.subi %mul3A_42, %mul3A_60 : i32
        "tpu.region"() ({
          %run_scoped3A = tpu.sem_alloc : memref<!tpu.dma_semaphore, #tpu.memory_space<semaphore_mem>>
          %dma_start3A_71 = arith.constant 0 : i32
          %dma_start3A_72 = tpu.memref_slice %arg2[%select_n3A, %dma_start3A_71] : memref<20x4096xi32, #tpu.memory_space<hbm>> -> memref<1x4096xi32, #tpu.memory_space<hbm>>
          %dma_start3A_73 = tpu.memref_squeeze %dma_start3A_72 : memref<1x4096xi32, #tpu.memory_space<hbm>> -> memref<4096xi32, #tpu.memory_space<hbm>>
          %dma_start3A_74 = arith.constant 0 : i32
          %dma_start3A_75 = tpu.memref_slice %arg2[%select_n3A, %dma_start3A_74] : memref<20x4096xi32, #tpu.memory_space<hbm>> -> memref<1x4096xi32, #tpu.memory_space<hbm>>
          %dma_start3A_76 = tpu.memref_squeeze %dma_start3A_75 : memref<1x4096xi32, #tpu.memory_space<hbm>> -> memref<4096xi32, #tpu.memory_space<hbm>>
          tpu.enqueue_dma source(%dma_start3A_76 : memref<4096xi32, #tpu.memory_space<hbm>>) target(%arg4 : memref<4096xi32, #tpu.memory_space<vmem>>) target_semaphore(%run_scoped3A : memref<!tpu.dma_semaphore, #tpu.memory_space<semaphore_mem>>)
          %dma_wait3A_77 = arith.constant 0 : i32
          %dma_wait3A_78 = tpu.memref_slice %arg2[%select_n3A, %dma_wait3A_77] : memref<20x4096xi32, #tpu.memory_space<hbm>> -> memref<1x4096xi32, #tpu.memory_space<hbm>>
          %dma_wait3A_79 = tpu.memref_squeeze %dma_wait3A_78 : memref<1x4096xi32, #tpu.memory_space<hbm>> -> memref<4096xi32, #tpu.memory_space<hbm>>
          %dma_wait3A_80 = arith.constant 0 : i32
          %dma_wait3A_81 = tpu.memref_slice %arg2[%select_n3A, %dma_wait3A_80] : memref<20x4096xi32, #tpu.memory_space<hbm>> -> memref<1x4096xi32, #tpu.memory_space<hbm>>
          %dma_wait3A_82 = tpu.memref_squeeze %dma_wait3A_81 : memref<1x4096xi32, #tpu.memory_space<hbm>> -> memref<4096xi32, #tpu.memory_space<hbm>>
          tpu.wait_dma2 semaphore(%run_scoped3A : memref<!tpu.dma_semaphore, #tpu.memory_space<semaphore_mem>>) src(%dma_wait3A_82 : memref<4096xi32, #tpu.memory_space<hbm>>) dst(%arg4 : memref<4096xi32, #tpu.memory_space<vmem>>)
          tpu.yield
        }) : () -> ()
        %scan3A_62 = arith.constant 0 : i32
        %scan3A_63 = arith.constant 0 : i32
        %scan3A_64 = arith.constant 256 : i32
        %scan3A_65 = arith.addi %scan3A_63, %scan3A_64 : i32
        %scan3A_66 = arith.constant 1 : i32
        scf.for %scan3A_71 = %scan3A_63 to %scan3A_65 step %scan3A_66  : i32 {
          %mul3A_72 = arith.constant 16 : i32
          %mul3A_73 = arith.muli %scan3A_71, %mul3A_72 : i32
          %get3A = arith.index_cast %mul3A_73 : i32 to index
          %get3A_74 = tpu.vector_load %arg4[%get3A] {strides = array<i32>} : memref<4096xi32, #tpu.memory_space<vmem>>, vector<16xi32>,
          %get3A_75 = vector.shape_cast %get3A_74 : vector<16xi32> to vector<16xi32>
          %add3A_76 = arith.constant 0 : i32
          %add3A_77 = arith.addi %sub3A_61, %add3A_76 : i32
          %broadcast_in_dim3A = vector.broadcast %add3A_77 : i32 to vector<16xi32>
          %sub3A_78 = arith.subi %get3A_75, %broadcast_in_dim3A : vector<16xi32>
          %abs3A = math.absi %sub3A_78 : vector<16xi32>
          %sub3A_79 = arith.constant 1 : i32
          %sub3A_80 = vector.broadcast %sub3A_79 : i32 to vector<16xi32>
          %sub3A_81 = arith.subi %sub3A_80, %abs3A : vector<16xi32>
          %max3A = arith.constant 0 : i32
          %max3A_82 = vector.broadcast %max3A : i32 to vector<16xi32>
          %max3A_83 = arith.maxsi %sub3A_81, %max3A_82 : vector<16xi32>
          %convert_element_type3A_84 = arith.sitofp %max3A_83 : vector<16xi32> to vector<16xf32>
          %mul3A_85 = arith.constant 16 : i32
          %mul3A_86 = arith.muli %scan3A_71, %mul3A_85 : i32
          %swap3A = arith.constant 0 : i32
          %swap3A_87 = arith.index_cast %swap3A : i32 to index
          %swap3A_88 = arith.index_cast %mul3A_86 : i32 to index
          %swap3A_89 = tpu.vector_load %arg6[%swap3A_87, %swap3A_88] {strides = array<i32>} : memref<8x4096xf32, #tpu.memory_space<vmem>>, vector<1x16xf32>,
          %swap3A_90 = vector.shape_cast %swap3A_89 : vector<1x16xf32> to vector<16xf32>
          %swap3A_91 = vector.shape_cast %convert_element_type3A_84 : vector<16xf32> to vector<1x16xf32>
          tpu.vector_store %arg6[%swap3A_87, %swap3A_88], %swap3A_91 {strides = array<i32>} : memref<8x4096xf32, #tpu.memory_space<vmem>>, vector<1x16xf32>,
          %add3A_92 = arith.constant 1 : i32
          %add3A_93 = arith.addi %sub3A_61, %add3A_92 : i32
          %broadcast_in_dim3A_94 = vector.broadcast %add3A_93 : i32 to vector<16xi32>
          %sub3A_95 = arith.subi %get3A_75, %broadcast_in_dim3A_94 : vector<16xi32>
          %abs3A_96 = math.absi %sub3A_95 : vector<16xi32>
          %sub3A_97 = arith.constant 1 : i32
          %sub3A_98 = vector.broadcast %sub3A_97 : i32 to vector<16xi32>
          %sub3A_99 = arith.subi %sub3A_98, %abs3A_96 : vector<16xi32>
          %max3A_100 = arith.constant 0 : i32
          %max3A_101 = vector.broadcast %max3A_100 : i32 to vector<16xi32>
          %max3A_102 = arith.maxsi %sub3A_99, %max3A_101 : vector<16xi32>
          %convert_element_type3A_103 = arith.sitofp %max3A_102 : vector<16xi32> to vector<16xf32>
          %mul3A_104 = arith.constant 16 : i32
          %mul3A_105 = arith.muli %scan3A_71, %mul3A_104 : i32
          %swap3A_106 = arith.constant 1 : i32
          %swap3A_107 = arith.index_cast %swap3A_106 : i32 to index
          %swap3A_108 = arith.index_cast %mul3A_105 : i32 to index
          %swap3A_109 = tpu.vector_load %arg6[%swap3A_107, %swap3A_108] {strides = array<i32>} : memref<8x4096xf32, #tpu.memory_space<vmem>>, vector<1x16xf32>,
          %swap3A_110 = vector.shape_cast %swap3A_109 : vector<1x16xf32> to vector<16xf32>
          %swap3A_111 = vector.shape_cast %convert_element_type3A_103 : vector<16xf32> to vector<1x16xf32>
          tpu.vector_store %arg6[%swap3A_107, %swap3A_108], %swap3A_111 {strides = array<i32>} : memref<8x4096xf32, #tpu.memory_space<vmem>>, vector<1x16xf32>,
          %add3A_112 = arith.constant 2 : i32
          %add3A_113 = arith.addi %sub3A_61, %add3A_112 : i32
          %broadcast_in_dim3A_114 = vector.broadcast %add3A_113 : i32 to vector<16xi32>
          %sub3A_115 = arith.subi %get3A_75, %broadcast_in_dim3A_114 : vector<16xi32>
          %abs3A_116 = math.absi %sub3A_115 : vector<16xi32>
          %sub3A_117 = arith.constant 1 : i32
          %sub3A_118 = vector.broadcast %sub3A_117 : i32 to vector<16xi32>
          %sub3A_119 = arith.subi %sub3A_118, %abs3A_116 : vector<16xi32>
          %max3A_120 = arith.constant 0 : i32
          %max3A_121 = vector.broadcast %max3A_120 : i32 to vector<16xi32>
          %max3A_122 = arith.maxsi %sub3A_119, %max3A_121 : vector<16xi32>
          %convert_element_type3A_123 = arith.sitofp %max3A_122 : vector<16xi32> to vector<16xf32>
          %mul3A_124 = arith.constant 16 : i32
          %mul3A_125 = arith.muli %scan3A_71, %mul3A_124 : i32
          %swap3A_126 = arith.constant 2 : i32
          %swap3A_127 = arith.index_cast %swap3A_126 : i32 to index
          %swap3A_128 = arith.index_cast %mul3A_125 : i32 to index
          %swap3A_129 = tpu.vector_load %arg6[%swap3A_127, %swap3A_128] {strides = array<i32>} : memref<8x4096xf32, #tpu.memory_space<vmem>>, vector<1x16xf32>,
          %swap3A_130 = vector.shape_cast %swap3A_129 : vector<1x16xf32> to vector<16xf32>
          %swap3A_131 = vector.shape_cast %convert_element_type3A_123 : vector<16xf32> to vector<1x16xf32>
          tpu.vector_store %arg6[%swap3A_127, %swap3A_128], %swap3A_131 {strides = array<i32>} : memref<8x4096xf32, #tpu.memory_space<vmem>>, vector<1x16xf32>,
          %add3A_132 = arith.constant 3 : i32
          %add3A_133 = arith.addi %sub3A_61, %add3A_132 : i32
          %broadcast_in_dim3A_134 = vector.broadcast %add3A_133 : i32 to vector<16xi32>
          %sub3A_135 = arith.subi %get3A_75, %broadcast_in_dim3A_134 : vector<16xi32>
          %abs3A_136 = math.absi %sub3A_135 : vector<16xi32>
          %sub3A_137 = arith.constant 1 : i32
          %sub3A_138 = vector.broadcast %sub3A_137 : i32 to vector<16xi32>
          %sub3A_139 = arith.subi %sub3A_138, %abs3A_136 : vector<16xi32>
          %max3A_140 = arith.constant 0 : i32
          %max3A_141 = vector.broadcast %max3A_140 : i32 to vector<16xi32>
          %max3A_142 = arith.maxsi %sub3A_139, %max3A_141 : vector<16xi32>
          %convert_element_type3A_143 = arith.sitofp %max3A_142 : vector<16xi32> to vector<16xf32>
          %mul3A_144 = arith.constant 16 : i32
          %mul3A_145 = arith.muli %scan3A_71, %mul3A_144 : i32
          %swap3A_146 = arith.constant 3 : i32
          %swap3A_147 = arith.index_cast %swap3A_146 : i32 to index
          %swap3A_148 = arith.index_cast %mul3A_145 : i32 to index
          %swap3A_149 = tpu.vector_load %arg6[%swap3A_147, %swap3A_148] {strides = array<i32>} : memref<8x4096xf32, #tpu.memory_space<vmem>>, vector<1x16xf32>,
          %swap3A_150 = vector.shape_cast %swap3A_149 : vector<1x16xf32> to vector<16xf32>
          %swap3A_151 = vector.shape_cast %convert_element_type3A_143 : vector<16xf32> to vector<1x16xf32>
          tpu.vector_store %arg6[%swap3A_147, %swap3A_148], %swap3A_151 {strides = array<i32>} : memref<8x4096xf32, #tpu.memory_space<vmem>>, vector<1x16xf32>,
          %add3A_152 = arith.constant 4 : i32
          %add3A_153 = arith.addi %sub3A_61, %add3A_152 : i32
          %broadcast_in_dim3A_154 = vector.broadcast %add3A_153 : i32 to vector<16xi32>
          %sub3A_155 = arith.subi %get3A_75, %broadcast_in_dim3A_154 : vector<16xi32>
          %abs3A_156 = math.absi %sub3A_155 : vector<16xi32>
          %sub3A_157 = arith.constant 1 : i32
          %sub3A_158 = vector.broadcast %sub3A_157 : i32 to vector<16xi32>
          %sub3A_159 = arith.subi %sub3A_158, %abs3A_156 : vector<16xi32>
          %max3A_160 = arith.constant 0 : i32
          %max3A_161 = vector.broadcast %max3A_160 : i32 to vector<16xi32>
          %max3A_162 = arith.maxsi %sub3A_159, %max3A_161 : vector<16xi32>
          %convert_element_type3A_163 = arith.sitofp %max3A_162 : vector<16xi32> to vector<16xf32>
          %mul3A_164 = arith.constant 16 : i32
          %mul3A_165 = arith.muli %scan3A_71, %mul3A_164 : i32
          %swap3A_166 = arith.constant 4 : i32
          %swap3A_167 = arith.index_cast %swap3A_166 : i32 to index
          %swap3A_168 = arith.index_cast %mul3A_165 : i32 to index
          %swap3A_169 = tpu.vector_load %arg6[%swap3A_167, %swap3A_168] {strides = array<i32>} : memref<8x4096xf32, #tpu.memory_space<vmem>>, vector<1x16xf32>,
          %swap3A_170 = vector.shape_cast %swap3A_169 : vector<1x16xf32> to vector<16xf32>
          %swap3A_171 = vector.shape_cast %convert_element_type3A_163 : vector<16xf32> to vector<1x16xf32>
          tpu.vector_store %arg6[%swap3A_167, %swap3A_168], %swap3A_171 {strides = array<i32>} : memref<8x4096xf32, #tpu.memory_space<vmem>>, vector<1x16xf32>,
          %add3A_172 = arith.constant 5 : i32
          %add3A_173 = arith.addi %sub3A_61, %add3A_172 : i32
          %broadcast_in_dim3A_174 = vector.broadcast %add3A_173 : i32 to vector<16xi32>
          %sub3A_175 = arith.subi %get3A_75, %broadcast_in_dim3A_174 : vector<16xi32>
          %abs3A_176 = math.absi %sub3A_175 : vector<16xi32>
          %sub3A_177 = arith.constant 1 : i32
          %sub3A_178 = vector.broadcast %sub3A_177 : i32 to vector<16xi32>
          %sub3A_179 = arith.subi %sub3A_178, %abs3A_176 : vector<16xi32>
          %max3A_180 = arith.constant 0 : i32
          %max3A_181 = vector.broadcast %max3A_180 : i32 to vector<16xi32>
          %max3A_182 = arith.maxsi %sub3A_179, %max3A_181 : vector<16xi32>
          %convert_element_type3A_183 = arith.sitofp %max3A_182 : vector<16xi32> to vector<16xf32>
          %mul3A_184 = arith.constant 16 : i32
          %mul3A_185 = arith.muli %scan3A_71, %mul3A_184 : i32
          %swap3A_186 = arith.constant 5 : i32
          %swap3A_187 = arith.index_cast %swap3A_186 : i32 to index
          %swap3A_188 = arith.index_cast %mul3A_185 : i32 to index
          %swap3A_189 = tpu.vector_load %arg6[%swap3A_187, %swap3A_188] {strides = array<i32>} : memref<8x4096xf32, #tpu.memory_space<vmem>>, vector<1x16xf32>,
          %swap3A_190 = vector.shape_cast %swap3A_189 : vector<1x16xf32> to vector<16xf32>
          %swap3A_191 = vector.shape_cast %convert_element_type3A_183 : vector<16xf32> to vector<1x16xf32>
          tpu.vector_store %arg6[%swap3A_187, %swap3A_188], %swap3A_191 {strides = array<i32>} : memref<8x4096xf32, #tpu.memory_space<vmem>>, vector<1x16xf32>,
          %add3A_192 = arith.constant 6 : i32
          %add3A_193 = arith.addi %sub3A_61, %add3A_192 : i32
          %broadcast_in_dim3A_194 = vector.broadcast %add3A_193 : i32 to vector<16xi32>
          %sub3A_195 = arith.subi %get3A_75, %broadcast_in_dim3A_194 : vector<16xi32>
          %abs3A_196 = math.absi %sub3A_195 : vector<16xi32>
          %sub3A_197 = arith.constant 1 : i32
          %sub3A_198 = vector.broadcast %sub3A_197 : i32 to vector<16xi32>
          %sub3A_199 = arith.subi %sub3A_198, %abs3A_196 : vector<16xi32>
          %max3A_200 = arith.constant 0 : i32
          %max3A_201 = vector.broadcast %max3A_200 : i32 to vector<16xi32>
          %max3A_202 = arith.maxsi %sub3A_199, %max3A_201 : vector<16xi32>
          %convert_element_type3A_203 = arith.sitofp %max3A_202 : vector<16xi32> to vector<16xf32>
          %mul3A_204 = arith.constant 16 : i32
          %mul3A_205 = arith.muli %scan3A_71, %mul3A_204 : i32
          %swap3A_206 = arith.constant 6 : i32
          %swap3A_207 = arith.index_cast %swap3A_206 : i32 to index
          %swap3A_208 = arith.index_cast %mul3A_205 : i32 to index
          %swap3A_209 = tpu.vector_load %arg6[%swap3A_207, %swap3A_208] {strides = array<i32>} : memref<8x4096xf32, #tpu.memory_space<vmem>>, vector<1x16xf32>,
          %swap3A_210 = vector.shape_cast %swap3A_209 : vector<1x16xf32> to vector<16xf32>
          %swap3A_211 = vector.shape_cast %convert_element_type3A_203 : vector<16xf32> to vector<1x16xf32>
          tpu.vector_store %arg6[%swap3A_207, %swap3A_208], %swap3A_211 {strides = array<i32>} : memref<8x4096xf32, #tpu.memory_space<vmem>>, vector<1x16xf32>,
          %add3A_212 = arith.constant 7 : i32
          %add3A_213 = arith.addi %sub3A_61, %add3A_212 : i32
          %broadcast_in_dim3A_214 = vector.broadcast %add3A_213 : i32 to vector<16xi32>
          %sub3A_215 = arith.subi %get3A_75, %broadcast_in_dim3A_214 : vector<16xi32>
          %abs3A_216 = math.absi %sub3A_215 : vector<16xi32>
          %sub3A_217 = arith.constant 1 : i32
          %sub3A_218 = vector.broadcast %sub3A_217 : i32 to vector<16xi32>
          %sub3A_219 = arith.subi %sub3A_218, %abs3A_216 : vector<16xi32>
          %max3A_220 = arith.constant 0 : i32
          %max3A_221 = vector.broadcast %max3A_220 : i32 to vector<16xi32>
          %max3A_222 = arith.maxsi %sub3A_219, %max3A_221 : vector<16xi32>
          %convert_element_type3A_223 = arith.sitofp %max3A_222 : vector<16xi32> to vector<16xf32>
          %mul3A_224 = arith.constant 16 : i32
          %mul3A_225 = arith.muli %scan3A_71, %mul3A_224 : i32
          %swap3A_226 = arith.constant 7 : i32
          %swap3A_227 = arith.index_cast %swap3A_226 : i32 to index
          %swap3A_228 = arith.index_cast %mul3A_225 : i32 to index
          %swap3A_229 = tpu.vector_load %arg6[%swap3A_227, %swap3A_228] {strides = array<i32>} : memref<8x4096xf32, #tpu.memory_space<vmem>>, vector<1x16xf32>,
          %swap3A_230 = vector.shape_cast %swap3A_229 : vector<1x16xf32> to vector<16xf32>
          %swap3A_231 = vector.shape_cast %convert_element_type3A_223 : vector<16xf32> to vector<1x16xf32>
          tpu.vector_store %arg6[%swap3A_227, %swap3A_228], %swap3A_231 {strides = array<i32>} : memref<8x4096xf32, #tpu.memory_space<vmem>>, vector<1x16xf32>,
        }
        %scan3A_67 = arith.constant 256 : i32
        %dma_start3A = arith.constant 0 : i32
        %dma_start3A_68 = tpu.memref_slice %arg3[%mul3A_42, %dma_start3A] : memref<20000x4096xf32, #tpu.memory_space<hbm>> -> memref<8x4096xf32, #tpu.memory_space<hbm>>
        %dma_start3A_69 = arith.constant 0 : i32
        %dma_start3A_70 = tpu.memref_slice %arg3[%mul3A_42, %dma_start3A_69] : memref<20000x4096xf32, #tpu.memory_space<hbm>> -> memref<8x4096xf32, #tpu.memory_space<hbm>>
        tpu.enqueue_dma source(%arg6 : memref<8x4096xf32, #tpu.memory_space<vmem>>) target(%dma_start3A_70 : memref<8x4096xf32, #tpu.memory_space<hbm>>) target_semaphore(%arg8 : memref<!tpu.dma_semaphore, #tpu.memory_space<semaphore_mem>>)
      } else {
      }
    }
    %scan3A_5 = arith.constant 40 : i32
    %dma_wait3A = arith.constant 0 : i32
    %dma_wait3A_6 = arith.constant 0 : i32
    %dma_wait3A_7 = tpu.memref_slice %arg3[%dma_wait3A, %dma_wait3A_6] : memref<20000x4096xf32, #tpu.memory_space<hbm>> -> memref<8x4096xf32, #tpu.memory_space<hbm>>
    %dma_wait3A_8 = arith.constant 0 : i32
    %dma_wait3A_9 = arith.constant 0 : i32
    %dma_wait3A_10 = tpu.memref_slice %arg3[%dma_wait3A_8, %dma_wait3A_9] : memref<20000x4096xf32, #tpu.memory_space<hbm>> -> memref<8x4096xf32, #tpu.memory_space<hbm>>
    tpu.wait_dma2 semaphore(%arg7 : memref<!tpu.dma_semaphore, #tpu.memory_space<semaphore_mem>>) src(%arg5 : memref<8x4096xf32, #tpu.memory_space<vmem>>) dst(%dma_wait3A_10 : memref<8x4096xf32, #tpu.memory_space<hbm>>)
    %dma_wait3A_11 = arith.constant 0 : i32
    %dma_wait3A_12 = arith.constant 0 : i32
    %dma_wait3A_13 = tpu.memref_slice %arg3[%dma_wait3A_11, %dma_wait3A_12] : memref<20000x4096xf32, #tpu.memory_space<hbm>> -> memref<8x4096xf32, #tpu.memory_space<hbm>>
    %dma_wait3A_14 = arith.constant 0 : i32
    %dma_wait3A_15 = arith.constant 0 : i32
    %dma_wait3A_16 = tpu.memref_slice %arg3[%dma_wait3A_14, %dma_wait3A_15] : memref<20000x4096xf32, #tpu.memory_space<hbm>> -> memref<8x4096xf32, #tpu.memory_space<hbm>>
    tpu.wait_dma2 semaphore(%arg8 : memref<!tpu.dma_semaphore, #tpu.memory_space<semaphore_mem>>) src(%arg6 : memref<8x4096xf32, #tpu.memory_space<vmem>>) dst(%dma_wait3A_16 : memref<8x4096xf32, #tpu.memory_space<hbm>>)
    return
  }
}

</mosaic_0001>

<sc_bundles>
// kernel: kernel.3.cloned.1.call-start
scs
__scs_entry_jumppad:
0x0: {  	(pc) =	sbr.rel $0x88, $3  }
0x1: {  	(tag) =	ssettag $0x0;
	lr =	simm.s32 $0x1  }
0x2: {  	[smem:$0x3FA0] =	sst lr;
	_ =	strace $0xD0000000  }
0x3: {  	_ = 	snop  }
0x4: {  	_ = 	snop  }
0x5: {  	_ = 	snop  }
0x6: {  	_ = 	snop  }
0x7: {  	_ = 	snop  }
__scs_overlays_trampoline_lowered:
0x8: {  	[smem:$0x3FAF] =	sst s0  }
0x9: {  	[smem:$0x3FB0] =	sst s1  }
0xa: {  	[smem:$0x3FB1] =	sst s2  }
0xb: {  	[smem:$0x3FB2] =	sst s3  }
0xc: {  	[smem:$0x3FB3] =	sst s4  }
0xd: {  	[smem:$0x3FB4] =	sst s5  }
0xe: {  	[smem:$0x3FB5] =	sst s6  }
0xf: {  	[smem:$0x3FB6] =	sst s7  }
0x10: {  	[smem:$0x3FB7] =	sst s8  }
0x11: {  	[smem:$0x3FB8] =	sst s9;
	s0 =	simm.s32 @!p0 $0x0  }
0x12: {  	s1 =	sld [smem:$0x3F9E];
	s0 =	simm.s32 @p0 $0x1  }
0x13: {  	[smem:$0x3FB9] =	sst s0;
	s0 =	simm.s32 @!p1 $0x0  }
0x14: {  	s2 =	sld [smem:$0x3F9D];
	s0 =	simm.s32 @p1 $0x1  }
0x15: {  	[smem:$0x3FBA] =	sst s0;
	s0 =	simm.s32 @!p2 $0x0  }
0x16: {  	s3 =	sld [smem:$0x3FDB];
	s0 =	simm.s32 @p2 $0x1  }
0x17: {  	s4 =	simm.s32 $0x1BF5;
	[smem:$0x3FBC] =	sst s0  }
0x18: {  	s0 =	sld [smem:$0x3F9F];
	_ =	swait.ge [sflag:s4], $0x0  }
0x19: {  	s7 =	sld [smem:$0x3FA0]  }
0x1a: {  	s8 =	sadd.s32 $0xFFFFE003, lr  }
0x1b: {  	s9 =	sadd.s32 $0xFFFFFEF7, lr;
	s5 =	simm.s32 $0xFFFFFFFF;
	p2 =	slt.u32 s8, $0xFFFFF086  }
0x1c: {  	p1 =	slt.u32 s9, $0xF7A;
	s5 =	simm.s32 @!p2 $0x0  }
0x1d: {  	s5 =	simm.s32 @p1 $0x1;
	p0 =	seq.s32 s7, s2  }
0x1e: {  	s7 =	smul.u32 @!p0 $0xF7A, s2;
	p2 =	seq.s32 @!p0 s5, $0x0  }
0x1f: {  	s9 =	smul.u32 $0xF7A, s1;
	s8 =	simm.s32 @!p0 $0x1BF5;
	p2 =	por !p2, p0  }
0x20: {  	[sflag:s8] =	ssyncset.s32 @!p0 $0xFFFFF086;
	s6 =	sadd.s32 @!p0 s3, s7;
	s7 =	simm.s32 @!p0 $0x108  }
0x21: {  	s3 =	sadd.s32 s3, s9;
	s6 =	sadd.s32 @!p0 $0x88, s6;
	s7 =	simm.s32 @p2 $0x1082  }
0x22: {  	[simem:s7], [sflag:s8] =	dma.local @!p0 [hbm:s6], $0xF7A  }
0x23: {  	s9 =	sor.u32 $0xD0000000, s2;
	s6 =	simm.s32 $0x108;
	_ =	swait.ge @!p0 [sflag:s8], $0x0  }
0x24: {  	s3 =	sadd.s32 $0x88, s3;
	s6 =	simm.s32 @!p1 $0x1082;
	[sflag:s4] =	ssyncset.s32 $0xFFFFF086  }
0x25: {  	[simem:s6], [sflag:s4] =	dma.local [hbm:s3], $0xF7A  }
0x26: {  	[smem:$0x3FA0] =	sst s1;
	(tag) =	ssettag s2;
	_ =	strace s9  }
0x27: {  	s1 =	sld [smem:$0x3FB0]  }
0x28: {  	s2 =	sld [smem:$0x3FB1]  }
0x29: {  	s4 =	sld [smem:$0x3FB3]  }
0x2a: {  	p0 =	seq.s32 s5, $0x0;
	s5 =	sld [smem:$0x3FB4]  }
0x2b: {  	s6 =	sld [smem:$0x3FB5]  }
0x2c: {  	s7 =	sld [smem:$0x3FB6]  }
0x2d: {  	s3 =	simm.s32 $0x108;
	s8 =	sld [smem:$0x3FB7]  }
0x2e: {  	s3 =	simm.s32 @!p0 $0x1082;
	s9 =	sld [smem:$0x3FB8]  }
0x2f: {  	lr =	sadd.s32 s0, s3;
	s0 =	sld [smem:$0x3FAF]  }
0x30: {  	s3 =	sld [smem:$0x3FB2]  }
0x31: {  	[smem:$0x3FBB] =	sst s10  }
0x32: {  	s10 =	sld [smem:$0x3FB9];
	_ =	sdelay $0x3  }
0x33: {  	p0 =	seq.s32 s10, $0x1;
	s10 =	sld [smem:$0x3FBB];
	_ =	sdelay $0x3  }
0x34: {  	[smem:$0x3FBB] =	sst s10  }
0x35: {  	s10 =	sld [smem:$0x3FBA];
	_ =	sdelay $0x3  }
0x36: {  	p1 =	seq.s32 s10, $0x1;
	s10 =	sld [smem:$0x3FBB];
	_ =	sdelay $0x3  }
0x37: {  	[smem:$0x3FBB] =	sst s10  }
0x38: {  	s10 =	sld [smem:$0x3FBC]  }
0x39: {  	_ = 	snop;
	(pc) =	sbr.ind lr, $3  }
0x3a: {  	_ = 	snop  }
0x3b: {  	_ = 	snop  }
0x3c: {  	p2 =	seq.s32 s10, $0x1;
	s10 =	sld [smem:$0x3FBB]  }
0x3d: {  	_ =	shalt  }
0x3e: {  	_ =	shalt  }
0x3f: {  	_ =	shalt  }
0x40: {  	_ =	shalt  }
0x41: {  	_ =	shalt  }
0x42: {  	_ =	shalt  }
0x43: {  	_ =	shalt  }
0x44: {  	_ =	shalt  }
0x45: {  	_ =	shalt  }
0x46: {  	_ =	shalt  }
0x47: {  	_ =	shalt  }
0x48: {  	_ =	shalt  }
0x49: {  	_ =	shalt  }
0x4a: {  	_ =	shalt  }
0x4b: {  	_ =	shalt  }
0x4c: {  	_ =	shalt  }
0x4d: {  	_ =	shalt  }
0x4e: {  	_ =	shalt  }
0x4f: {  	_ =	shalt  }
0x50: {  	_ =	shalt  }
0x51: {  	_ =	shalt  }
0x52: {  	_ =	shalt  }
0x53: {  	_ =	shalt  }
0x54: {  	_ =	shalt  }
0x55: {  	_ =	shalt  }
0x56: {  	_ =	shalt  }
0x57: {  	_ =	shalt  }
0x58: {  	_ =	shalt  }
0x59: {  	_ =	shalt  }
0x5a: {  	_ =	shalt  }
0x5b: {  	_ =	shalt  }
0x5c: {  	_ =	shalt  }
0x5d: {  	_ =	shalt  }
0x5e: {  	_ =	shalt  }
0x5f: {  	_ =	shalt  }
0x60: {  	_ =	shalt  }
0x61: {  	_ =	shalt  }
0x62: {  	_ =	shalt  }
0x63: {  	_ =	shalt  }
0x64: {  	_ =	shalt  }
0x65: {  	_ =	shalt  }
0x66: {  	_ =	shalt  }
0x67: {  	_ =	shalt  }
0x68: {  	_ =	shalt  }
0x69: {  	_ =	shalt  }
0x6a: {  	_ =	shalt  }
0x6b: {  	_ =	shalt  }
0x6c: {  	_ =	shalt  }
0x6d: {  	_ =	shalt  }
0x6e: {  	_ =	shalt  }
0x6f: {  	_ =	shalt  }
0x70: {  	_ =	shalt  }
0x71: {  	_ =	shalt  }
0x72: {  	_ =	shalt  }
0x73: {  	_ =	shalt  }
0x74: {  	_ =	shalt  }
0x75: {  	_ =	shalt  }
0x76: {  	_ =	shalt  }
0x77: {  	_ =	shalt  }
0x78: {  	_ =	shalt  }
0x79: {  	_ =	shalt  }
0x7a: {  	_ =	shalt  }
0x7b: {  	_ =	shalt  }
0x7c: {  	_ =	shalt  }
0x7d: {  	_ =	shalt  }
0x7e: {  	_ =	shalt  }
0x7f: {  	_ =	shalt  }
0x80: {  	_ =	shalt  }
0x81: {  	_ =	shalt  }
0x82: {  	_ =	shalt  }
0x83: {  	_ =	shalt  }
0x84: {  	_ =	shalt  }
0x85: {  	_ =	shalt  }
0x86: {  	_ =	shalt  }
0x87: {  	_ =	shalt  }
.Lfunc_end0:
.L_simem_size_0:
called_computation_lowered:
.L_overlay_start_0:
0x88: {  	s2 =	sld [smem:$0x3FD9]  }
0x89: {  	s3 =	sld [smem:$0x3FFE];
	_ =	sdelay $0x1  }
0x8a: {  	s1 =	srdreg.scid  }
0x8b: {  	s0 =	sand.u32 $0x1, s1  }
0x8c: {  	s18 =	sshll.u32 s0, $0xA;
	s2 =	sadd.s32 s3, s2  }
0x8d: {  	s2 =	sadd.s32 s2, s18  }
0x8e: {  	[smem:$0x3FC7] =	sst s2  }
0x8f: {  	_ = 	snop  }
0x90: {  	s2 =	sld [smem:$0x3FC9]  }
0x91: {  	s19 =	sld [smem:$0x3FD0];
	(tm) =	ssettm $0x1  }
0x92: {  	s4 =	sld [smem:$0x3FFB];
	_ =	sdelay $0x3  }
0x93: {  	_ =	strace s4  }
0x94: {  	s4 =	sld [smem:$0x3FFC];
	_ =	sdelay $0x3  }
0x95: {  	_ =	strace s4  }
0x96: {  	s4 =	sld [smem:$0x3FFD];
	_ =	sdelay $0x3  }
0x97: {  	_ =	strace s4  }
0x98: {  	_ =	strace $0x8FFFFFFF  }
0x99: {  	s20 =	sld [smem:$0x3FDB];
	_ =	sdelay $0x1  }
0x9a: {  	s5 =	simm.s32 $_scs_section_size  }
0x9b: {  	s6 =	simm.s32 $_size__tile_overlayer_lowered;
	s7 =	simm.s32 $_tile_overlayer_lowered  }
0x9c: {  	s23 =	simm.s32 $0x1BFF;
	s22 =	sshll.u32 s7, $0x1;
	s4 =	sadd.s32 s5, s20  }
0x9d: {  	s8 =	simm.s32 $0x0;
	s21 =	sshll.u32 s6, $0x1;
	s6 =	sadd.s32 s22, s4  }
0x9e: {  	[timem:s8], [sflag:s23] =	dma.local [hbm:s6], s21  }
0x9f: {  	_ =	swait.ge [sflag:s23], s21  }
0xa0: {  	s5 =	ssub.s32 $0x0, s21;
	[sflag:s23] =	ssyncset.done $0x0  }
0xa1: {  	[sflag:s23] =	ssyncadd.s32 s5;
	_ =	sdelay $0x1  }
0xa2: {  	s24 =	simm.s32 $0x1B8B  }
0xa3: {  	_ =	swait.ge [sflag:s24], $0x1  }
0xa4: {  	[sflag:s24] =	ssyncset.done $0x0  }
0xa5: {  	s25 =	simm.s32 $0x1B8E;
	[sflag:s24] =	ssyncadd.s32 $0xFFFFFFFF  }
0xa6: {  	s26 =	simm.s32 $execute0_lowered;
	[smem:$0x3FD2] =	sst s25  }
0xa7: {  	s5 =	sshll.u32 s26, $0x1;
	_ =	strace $0x80000046;
	[dreg:$0x1] =	wrdreg $0xFFFFFFFF  }
0xa8: {  	s28 =	simm.s32 $_size_execute0_lowered;
	s4 =	sadd.s32 s4, s5;
	[dreg:$0x0] =	wrdreg $0x0  }
0xa9: {  	s5 =	sshll.u32 s28, $0x1;
	[dreg:$0x2] =	wrdreg s4  }
0xaa: {  	[dreg:$0x3] =	wrdreg s5  }
0xab: {  	[dreg:$0x4] =	wrdreg $0xC0  }
0xac: {  	_ =	task [dreg:s8], $0x5FFFF  }
0xad: {  	[dreg:$0x1] =	wrdreg $0xFFFFFFFF  }
0xae: {  	[dreg:$0x0] =	wrdreg $0x60  }
0xaf: {  	[dreg:$0x2] =	wrdreg s2  }
0xb0: {  	[dreg:$0x3] =	wrdreg s19  }
0xb1: {  	[dreg:$0x4] =	wrdreg $0x9  }
0xb2: {  	_ =	task.clear_ibuf [dreg:s8], $0x5FFFF;
	_ =	strace $0x90000046  }
0xb3: {  	s29 =	simm.s32 $0x9;
	_ =	strace $0x80000048  }
0xb4: {  	_ =	swait.ge [sflag:s29], $0x1  }
0xb5: {  	[sflag:s29] =	ssyncadd.s32 $0xFFFFFFFF  }
0xb6: {  	_ =	strace $0x90000048  }
0xb7: {  	_ =	sfence  }
0xb8: {  	s30 =	sld [smem:$0x0];
	_ =	sdelay $0x2  }
0xb9: {  	s31 =	sshll.u32 s1, $0xD;
	s1 =	sshrl.u32 s1, $0x2  }
0xba: {  	s3 =	sand.u32 $0x4000, s31;
	s1 =	sadd.s32 s1, s30  }
0xbb: {  	s0 =	sor.u32 s3, s0;
	s1 =	sshll.u32 s1, $0x11  }
0xbc: {  	s0 =	sor.u32 s1, s0  }
0xbd: {  	s0 =	sadd.s32 $0x8F2B, s0  }
0xbe: {  	[sflag:s0] =	ssyncadd.remote.s32 $0x1  }
0xbf: {  	_ =	sfence.sel $0xFFFF  }
0xc0: {  	[dreg:$0x0] =	wrdreg $0xFFFFFFFF;
	(pc) =	sbr.abs _section_cstart, $3  }
0xc1: {  	[dreg:$0x1] =	wrdreg $0xFFFFFFFF  }
0xc2: {  	_ =	task.clear_ibuf [dreg:s8], $0x2FFFF;
	_ =	strace $0x9FFFFFFF  }
0xc3: {  	(tm) =	ssettm $0x7FFFFFFF  }
tec
execute0_lowered:
.L_overlay_start_1:
0x0: {  	(tag) =	ssettag $0x1  }
0x1: {  	s1 =	rddreg [dreg:$0x0]  }
0x2: {  	s2 =	rddreg [dreg:$0x1]  }
0x3: {  	s4 =	srdreg.scid;
	s0 =	rddreg [dreg:$0x2];
	s3 =	simm.s32 $0x0  }
0x4: {  	s8 =	simm.s32 $0x400;
	s9 =	simm.s32 $0x3;
	s10 =	simm.s32 $0x1000  }
.Ltmp0:
0x5: {  	s11 =	simm.s32 $0x9000;
	s5 =	sand.u32 $0x1, s4;
	(pc) =	sbr.rel .LBB2_1-.Ltmp0, $4  }
0x6: {  	s12 =	simm.s32 $0x1;
	s13 =	simm.s32 $0x2;
	s6 =	ssub.s32 $0x2, s5  }
0x7: {  	s14 =	simm.s32 $0x0;
	[smem:$0x7FF] =	sst s3;
	s7 =	sshrl.u32 s6, $0x1  }
0x8: {  	s4 =	stileid.u32;
	_ =	strace $0x80000047;
	s6 =	ssub.s32 s6, s7  }
0x9: {  	s5 =	sshll.u32 s5, $0x4;
	s7 =	simm.s32 $0x80;
	s6 =	smax.u32 s6, $0x1  }
.LBB2_11:
0xa: {  	s14 =	sadd.s32 $0x1, s14  }
0xb: {  	_ =	swait.ge [sflag:s12], $0x8000;
	p0 =	sne.s32 s14, s6  }
.Ltmp1:
0xc: {  	[sflag:s12] =	ssyncset.done $0x0;
	(pc) =	sbr.rel @!p0 .LBB2_12-.Ltmp1, $4  }
0xd: {  	[sflag:s12] =	ssyncadd.s32 $0xFFFF8000  }
0xe: {  	_ =	swait.ge [sflag:s13], $0x8000  }
0xf: {  	[sflag:s13] =	ssyncset.done $0x0  }
0x10: {  	[sflag:s13] =	ssyncadd.s32 $0xFFFF8000  }
.LBB2_1:
.Ltmp2:
0x11: {  	(pc) =	sbr.rel .LBB2_2-.Ltmp2, $2  }
0x12: {  	_ =	sdelay $0x2  }
0x13: {  	s15 =	simm.s32 $0x0  }
.LBB2_10:
0x14: {  	s15 =	sadd.s32 $0x1, s15  }
0x15: {  	p0 =	sne.s32 s15, $0x28  }
.Ltmp3:
0x16: {  	_ = 	snop;
	(pc) =	sbr.rel @!p0 .LBB2_11-.Ltmp3, $1  }
0x17: {  	_ =	sdelay $0x3  }
.LBB2_2:
0x18: {  	s16 =	sshll.u32 s15, $0x6  }
0x19: {  	s16 =	sor.u32 s16, s5  }
0x1a: {  	s16 =	sor.u32 s4, s16  }
0x1b: {  	p1 =	sgt.u32 s16, $0x9C3  }
.Ltmp4:
0x1c: {  	_ = 	snop;
	(pc) =	sbr.rel @p1 .LBB2_6-.Ltmp4, $2  }
0x1d: {  	_ =	sdelay $0x2  }
0x1e: {  	p0 =	seq.s32 s15, $0x0  }
0x1f: {  	s17 =	smul.u32 $0x625, s16;
	_ =	sdelay $0x1  }
0x20: {  	s17 =	sshrl.u32 s17, $0x10  }
0x21: {  	s18 =	ssub.s32 s16, s17  }
0x22: {  	s18 =	sand.u32 $0xFFFE, s18  }
0x23: {  	s18 =	sshrl.u32 s18, $0x1  }
0x24: {  	s19 =	simm.s32 @!p0 $0x1;
	s17 =	sadd.s32 s17, s18  }
0x25: {  	_ =	swait.ge @!p0 [sflag:s19], $0x8000;
	s18 =	sshrl.u32 s17, $0x2  }
0x26: {  	[sflag:s19] =	ssyncset.done @!p0 $0x0;
	s20 =	sshll.u32 s17, $0x3;
	s18 =	sand.u32 $0x70, s18  }
0x27: {  	[sflag:s19] =	ssyncadd.s32 @!p0 $0xFFFF8000;
	s20 =	sand.u32 $0x7000, s20;
	s18 =	sadd.s32 s1, s18  }
0x28: {  	s21 =	sand.u32 $0xFFC0, s17;
	s17 =	simm.s32 $0x0;
	s18 =	sadd.s32 s20, s18  }
0x29: {  	[tilespmem:s17], [sflag:$0x3] =	stream.strided.gather [hbm4b:s18+s7], $0x1000, s8, s7, $0x38;
	[tilespmem:$0x11000] =	vst v63  }
0x2a: {  	s22 =	sshrl.u32 s21, $0x6;
	_ =	swait.ge [sflag:s9], $0x1000  }
0x2b: {  	s18 =	smul.u32 $0xFFFFFC18, s22;
	[sflag:s9] =	ssyncset.done $0x0  }
0x2c: {  	s23 =	sshll.u32 s16, $0x3;
	[sflag:s9] =	ssyncadd.s32 $0xFFFFF000  }
0x2d: {  	s18 =	sadd.s32 s23, s18;
	v8 =	vld [tilespmem:s17+$0x0]  }
0x2e: {  	s19 =	sxor.u32 $0xFFFFFFFF, s18  }
0x2f: {  	v0 =	vmov s18;
	s24 =	sor.u32 $0x2, s18;
	s25 =	sor.u32 $0x3, s18;
	s21 =	sor.u32 $0x4, s18;
	v1 =	vmov s19  }
0x30: {  	s26 =	sor.u32 $0x5, s18;
	s28 =	sor.u32 $0x6, s18;
	s18 =	sor.u32 $0x7, s18;
	v2 =	vmov s24;
	v3 =	vmov s25;
	v4 =	vmov s21  }
0x31: {  	v6 =	vmov s26;
	v7 =	vmov s28;
	v5 =	vmov s18  }
0x32: {  	v9 =	vsub.s32 v8, v0;
	v10 =	vadd.s32 v1, v8;
	v11 =	vsub.s32 v8, v7  }
0x33: {  	v15 =	vsub.s32 v8, v3;
	v16 =	vsub.s32 v8, v4;
	v13 =	vsub.s32 $0x0, v10  }
0x34: {  	v12 =	vsub.s32 $0x0, v9;
	v17 =	vsub.s32 $0x0, v15;
	v10 =	vmin.u32 v10, v13  }
0x35: {  	v18 =	vsub.s32 $0x0, v16;
	v12 =	vmin.u32 v9, v12;
	v13 =	vsub.s32 $0x1, v10  }
0x36: {  	v9 =	vsub.s32 v8, v6;
	v12 =	vsub.s32 $0x1, v12;
	vm1 =	vgt.s32 v13, $0x0  }
0x37: {  	v10 =	vsub.s32 $0x0, v11;
	vm0 =	vgt.s32 v12, $0x0;
	v13 =	vnsel vm1, $0x0, v13  }
0x38: {  	s29 =	sand.u32 $0x7, s17;
	s30 =	sand.u32 $0x70, s17;
	s31 =	sand.u32 $0x7C00, s17;
	v10 =	vmin.u32 v11, v10;
	v11 =	vnsel vm0, $0x0, v12;
	v13 =	vcvt.s32.f32 v13  }
0x39: {  	s20 =	sor.u32 s30, s31;
	s22 =	simm.s32 $0x0;
	s18 =	sshll.u32 s29, $0x4;
	v15 =	vmin.u32 v15, v17;
	v12 =	vcvt.s32.f32 v11;
	v11 =	vsub.s32 v8, v2  }
0x3a: {  	s19 =	simm.s32 $0x10;
	s21 =	simm.s32 $0x0;
	s18 =	sadd.s32 $0x0, s18;
	v16 =	vmin.u32 v16, v18;
	v14 =	vsub.s32 $0x0, v9;
	[tilespmem:s20+$0x1080] =	vst v13;
	v13 =	vsub.s32 $0x0, v11  }
.LBB2_4:
0x3b: {  	s17 =	sadd.s32 $0x80, s17  }
0x3c: {  	[tilespmem:s20+$0x1000] =	vst v12;
	v12 =	vsub.s32 $0x1, v16;
	v9 =	vmin.u32 v9, v14;
	v8 =	vsub.s32 v8, v5;
	s21 =	sadd.s32 $0x1, s21;
	s22 =	sadd.s32 $0x10, s22;
	s23 =	smov.u32 s19  }
0x3d: {  	p1 =	sne.s32 s19, $0xFF0;
	s19 =	sadd.s32 $0x10, s19;
	v14 =	vsub.s32 $0x1, v15;
	v10 =	vsub.s32 $0x1, v10;
	s24 =	sand.u32 $0x7, s21;
	v15 =	vsub.s32 $0x0, v8  }
0x3e: {  	vm0 =	vgt.s32 v14, $0x0;
	v9 =	vsub.s32 $0x1, v9;
	s24 =	sshll.u32 s24, $0x4;
	v8 =	vmin.u32 v8, v15  }
0x3f: {  	vm1 =	vgt.s32 v10, $0x0;
	v14 =	vnsel vm0, $0x0, v14;
	vm0 =	vgt.s32 v9, $0x0;
	s24 =	sadd.s32 s24, s17  }
0x40: {  	v11 =	vmin.u32 v11, v13;
	v13 =	vcvt.s32.f32 v14;
	v9 =	vnsel vm0, $0x0, v9  }
0x41: {  	v11 =	vsub.s32 $0x1, v11;
	vm0 =	vgt.s32 v12, $0x0;
	v9 =	vcvt.s32.f32 v9  }
0x42: {  	vm2 =	vgt.s32 v11, $0x0;
	v8 =	vsub.s32 $0x1, v8;
	v12 =	vnsel vm0, $0x0, v12  }
0x43: {  	v11 =	vnsel vm2, $0x0, v11;
	vm0 =	vgt.s32 v8, $0x0;
	v12 =	vcvt.s32.f32 v12;
	[tilespmem:s20+$0x1180] =	vst v13  }
0x44: {  	v11 =	vcvt.s32.f32 v11;
	v8 =	vnsel vm0, $0x0, v8;
	[tilespmem:s20+$0x1280] =	vst v9;
	v9 =	vnsel vm1, $0x0, v10  }
0x45: {  	[tilespmem:s20+$0x1200] =	vst v12;
	v9 =	vcvt.s32.f32 v9  }
0x46: {  	v8 =	vcvt.s32.f32 v8;
	[tilespmem:s20+$0x1100] =	vst v11  }
0x47: {  	[tilespmem:s20+$0x1300] =	vst v9;
	s20 =	sor.u32 $0x380, s18;
	s18 =	smov.u32 s24  }
0x48: {  	[tilespmem:s20+$0x1000] =	vst v8  }
0x49: {  	v8 =	vld [tilespmem:s22+$0x0];
	_ =	sdelay $0x4  }
0x4a: {  	v9 =	vsub.s32 v8, v0;
	v10 =	vadd.s32 v1, v8;
	v11 =	vsub.s32 v8, v7  }
0x4b: {  	v15 =	vsub.s32 v8, v3;
	v12 =	vsub.s32 $0x0, v9;
	v13 =	vsub.s32 $0x0, v10  }
0x4c: {  	v12 =	vmin.u32 v9, v12;
	v10 =	vmin.u32 v10, v13;
	v9 =	vsub.s32 v8, v6  }
0x4d: {  	v12 =	vsub.s32 $0x1, v12;
	v13 =	vsub.s32 $0x1, v10;
	v10 =	vsub.s32 $0x0, v11  }
.Ltmp5:
0x4e: {  	vm0 =	vgt.s32 v12, $0x0;
	vm1 =	vgt.s32 v13, $0x0;
	v10 =	vmin.u32 v11, v10;
	(pc) =	sbr.rel @p1 .LBB2_4-.Ltmp5, $4  }
0x4f: {  	v14 =	vsub.s32 $0x0, v9;
	v11 =	vnsel vm0, $0x0, v12;
	v13 =	vnsel vm1, $0x0, v13  }
0x50: {  	s20 =	sand.u32 $0x70, s23;
	s23 =	sand.u32 $0x7C00, s17;
	v16 =	vsub.s32 v8, v4;
	v12 =	vcvt.s32.f32 v11;
	v13 =	vcvt.s32.f32 v13  }
0x51: {  	s20 =	sor.u32 s20, s23;
	v17 =	vsub.s32 $0x0, v15;
	v18 =	vsub.s32 $0x0, v16;
	v11 =	vsub.s32 v8, v2  }
0x52: {  	v15 =	vmin.u32 v15, v17;
	v16 =	vmin.u32 v16, v18;
	[tilespmem:s20+$0x1080] =	vst v13;
	v13 =	vsub.s32 $0x0, v11  }
0x53: {  	v0 =	vsub.s32 $0x1, v16;
	v1 =	vmin.u32 v9, v14  }
0x54: {  	v2 =	vsub.s32 v8, v5;
	v3 =	vsub.s32 $0x1, v15;
	v4 =	vsub.s32 $0x1, v10  }
0x55: {  	v59 =	vmin.u32 v11, v13;
	v5 =	vsub.s32 $0x0, v2;
	vm0 =	vgt.s32 v3, $0x0  }
0x56: {  	v1 =	vsub.s32 $0x1, v1;
	vm1 =	vgt.s32 v4, $0x0;
	vm14 =	vgt.s32 v0, $0x0  }
0x57: {  	v2 =	vmin.u32 v2, v5;
	v3 =	vnsel vm0, $0x0, v3;
	vm13 =	vgt.s32 v1, $0x0  }
0x58: {  	v5 =	vsub.s32 $0x1, v59;
	v0 =	vnsel vm14, $0x0, v0;
	v3 =	vcvt.s32.f32 v3  }
0x59: {  	[tilespmem:s20+$0x1000] =	vst v12;
	v61 =	vnsel vm1, $0x0, v4;
	v1 =	vnsel vm13, $0x0, v1;
	v0 =	vcvt.s32.f32 v0  }
0x5a: {  	vm2 =	vgt.s32 v5, $0x0;
	v2 =	vsub.s32 $0x1, v2;
	v62 =	vcvt.s32.f32 v61;
	[tilespmem:s20+$0x1180] =	vst v3  }
0x5b: {  	v1 =	vcvt.s32.f32 v1;
	v5 =	vnsel vm2, $0x0, v5;
	vm15 =	vgt.s32 v2, $0x0;
	[tilespmem:s20+$0x1200] =	vst v0  }
0x5c: {  	v60 =	vcvt.s32.f32 v5;
	v2 =	vnsel vm15, $0x0, v2;
	[tilespmem:s20+$0x1300] =	vst v62  }
0x5d: {  	[tilespmem:s20+$0x1280] =	vst v1;
	v63 =	vcvt.s32.f32 v2  }
0x5e: {  	s17 =	sor.u32 $0x380, s18;
	s30 =	sshll.u32 s16, $0xC;
	[tilespmem:s20+$0x1100] =	vst v60  }
0x5f: {  	s31 =	sadd.s32 s2, s30;
	[tilespmem:s17+$0x1000] =	vst v63  }
0x60: {  	[hbm4b:s31+s3] =	stream.linear.scatter [tilespmem:s10], [sflag:$0x1], $0x8000, $0x38;
	[tilespmem:$0x11000] =	vst v63  }
.LBB2_6:
0x61: {  	s16 =	sor.u32 $0x20, s16  }
0x62: {  	p1 =	sgt.u32 s16, $0x9C3  }
.Ltmp6:
0x63: {  	_ = 	snop;
	(pc) =	sbr.rel @p1 .LBB2_10-.Ltmp6, $1  }
0x64: {  	_ =	sdelay $0x3  }
0x65: {  	s17 =	smul.u32 $0x625, s16;
	_ =	sdelay $0x1  }
0x66: {  	s17 =	sshrl.u32 s17, $0x10  }
0x67: {  	s18 =	ssub.s32 s16, s17  }
0x68: {  	s18 =	sand.u32 $0xFFFE, s18  }
0x69: {  	s18 =	sshrl.u32 s18, $0x1  }
0x6a: {  	s19 =	simm.s32 @!p0 $0x2;
	s17 =	sadd.s32 s17, s18  }
0x6b: {  	_ =	swait.ge @!p0 [sflag:s19], $0x8000;
	s18 =	sshrl.u32 s17, $0x2  }
0x6c: {  	[sflag:s19] =	ssyncset.done @!p0 $0x0;
	s20 =	sshll.u32 s17, $0x3;
	s18 =	sand.u32 $0x70, s18  }
0x6d: {  	[sflag:s19] =	ssyncadd.s32 @!p0 $0xFFFF8000;
	s20 =	sand.u32 $0x7000, s20;
	s18 =	sadd.s32 s1, s18  }
0x6e: {  	s21 =	sand.u32 $0xFFC0, s17;
	s17 =	simm.s32 $0x0;
	s18 =	sadd.s32 s20, s18  }
0x6f: {  	[tilespmem:s17], [sflag:$0x3] =	stream.strided.gather [hbm4b:s18+s7], $0x1000, s8, s7, $0x38;
	[tilespmem:$0x11000] =	vst v63  }
0x70: {  	s22 =	sshrl.u32 s21, $0x6;
	_ =	swait.ge [sflag:s9], $0x1000  }
0x71: {  	s18 =	smul.u32 $0xFFFFFC18, s22;
	[sflag:s9] =	ssyncset.done $0x0  }
0x72: {  	s23 =	sshll.u32 s16, $0x3;
	[sflag:s9] =	ssyncadd.s32 $0xFFFFF000  }
0x73: {  	s18 =	sadd.s32 s23, s18;
	v8 =	vld [tilespmem:s17+$0x0]  }
0x74: {  	s19 =	sxor.u32 $0xFFFFFFFF, s18  }
0x75: {  	v0 =	vmov s18;
	s24 =	sor.u32 $0x2, s18;
	s25 =	sor.u32 $0x3, s18;
	s21 =	sor.u32 $0x4, s18;
	v1 =	vmov s19  }
0x76: {  	s26 =	sor.u32 $0x5, s18;
	s28 =	sor.u32 $0x6, s18;
	s18 =	sor.u32 $0x7, s18;
	v2 =	vmov s24;
	v3 =	vmov s25;
	v4 =	vmov s21  }
0x77: {  	v6 =	vmov s26;
	v7 =	vmov s28;
	v5 =	vmov s18  }
0x78: {  	v9 =	vsub.s32 v8, v0;
	v10 =	vadd.s32 v1, v8;
	v11 =	vsub.s32 v8, v7  }
0x79: {  	v15 =	vsub.s32 v8, v3;
	v16 =	vsub.s32 v8, v4;
	v13 =	vsub.s32 $0x0, v10  }
0x7a: {  	v12 =	vsub.s32 $0x0, v9;
	v17 =	vsub.s32 $0x0, v15;
	v10 =	vmin.u32 v10, v13  }
0x7b: {  	v18 =	vsub.s32 $0x0, v16;
	v12 =	vmin.u32 v9, v12;
	v13 =	vsub.s32 $0x1, v10  }
0x7c: {  	v9 =	vsub.s32 v8, v6;
	v12 =	vsub.s32 $0x1, v12;
	vm1 =	vgt.s32 v13, $0x0  }
0x7d: {  	v10 =	vsub.s32 $0x0, v11;
	vm0 =	vgt.s32 v12, $0x0;
	v13 =	vnsel vm1, $0x0, v13  }
0x7e: {  	s29 =	sand.u32 $0x7, s17;
	s30 =	sand.u32 $0x70, s17;
	s31 =	sand.u32 $0x7C00, s17;
	v10 =	vmin.u32 v11, v10;
	v11 =	vnsel vm0, $0x0, v12;
	v13 =	vcvt.s32.f32 v13  }
0x7f: {  	s20 =	sor.u32 s30, s31;
	s22 =	simm.s32 $0x0;
	s18 =	sshll.u32 s29, $0x4;
	v15 =	vmin.u32 v15, v17;
	v12 =	vcvt.s32.f32 v11;
	v11 =	vsub.s32 v8, v2  }
0x80: {  	s19 =	simm.s32 $0x10;
	s21 =	simm.s32 $0x0;
	s18 =	sadd.s32 $0x0, s18;
	v16 =	vmin.u32 v16, v18;
	v14 =	vsub.s32 $0x0, v9;
	[tilespmem:s20+$0x9080] =	vst v13;
	v13 =	vsub.s32 $0x0, v11  }
.LBB2_8:
0x81: {  	s17 =	sadd.s32 $0x80, s17  }
0x82: {  	[tilespmem:s20+$0x9000] =	vst v12;
	v12 =	vsub.s32 $0x1, v16;
	v9 =	vmin.u32 v9, v14;
	v8 =	vsub.s32 v8, v5;
	s21 =	sadd.s32 $0x1, s21;
	s22 =	sadd.s32 $0x10, s22;
	s23 =	smov.u32 s19  }
0x83: {  	p0 =	sne.s32 s19, $0xFF0;
	s19 =	sadd.s32 $0x10, s19;
	v14 =	vsub.s32 $0x1, v15;
	v10 =	vsub.s32 $0x1, v10;
	s24 =	sand.u32 $0x7, s21;
	v15 =	vsub.s32 $0x0, v8  }
0x84: {  	vm0 =	vgt.s32 v14, $0x0;
	v9 =	vsub.s32 $0x1, v9;
	s24 =	sshll.u32 s24, $0x4;
	v8 =	vmin.u32 v8, v15  }
0x85: {  	vm1 =	vgt.s32 v10, $0x0;
	v14 =	vnsel vm0, $0x0, v14;
	vm0 =	vgt.s32 v9, $0x0;
	s24 =	sadd.s32 s24, s17  }
0x86: {  	v11 =	vmin.u32 v11, v13;
	v13 =	vcvt.s32.f32 v14;
	v9 =	vnsel vm0, $0x0, v9  }
0x87: {  	v11 =	vsub.s32 $0x1, v11;
	vm0 =	vgt.s32 v12, $0x0;
	v9 =	vcvt.s32.f32 v9  }
0x88: {  	vm2 =	vgt.s32 v11, $0x0;
	v8 =	vsub.s32 $0x1, v8;
	v12 =	vnsel vm0, $0x0, v12  }
0x89: {  	v11 =	vnsel vm2, $0x0, v11;
	vm0 =	vgt.s32 v8, $0x0;
	v12 =	vcvt.s32.f32 v12;
	[tilespmem:s20+$0x9180] =	vst v13  }
0x8a: {  	v11 =	vcvt.s32.f32 v11;
	v8 =	vnsel vm0, $0x0, v8;
	[tilespmem:s20+$0x9280] =	vst v9;
	v9 =	vnsel vm1, $0x0, v10  }
0x8b: {  	[tilespmem:s20+$0x9200] =	vst v12;
	v9 =	vcvt.s32.f32 v9  }
0x8c: {  	v8 =	vcvt.s32.f32 v8;
	[tilespmem:s20+$0x9100] =	vst v11  }
0x8d: {  	[tilespmem:s20+$0x9300] =	vst v9;
	s20 =	sor.u32 $0x380, s18;
	s18 =	smov.u32 s24  }
0x8e: {  	[tilespmem:s20+$0x9000] =	vst v8  }
0x8f: {  	v8 =	vld [tilespmem:s22+$0x0];
	_ =	sdelay $0x4  }
0x90: {  	v9 =	vsub.s32 v8, v0;
	v10 =	vadd.s32 v1, v8;
	v11 =	vsub.s32 v8, v7  }
0x91: {  	v15 =	vsub.s32 v8, v3;
	v12 =	vsub.s32 $0x0, v9;
	v13 =	vsub.s32 $0x0, v10  }
0x92: {  	v12 =	vmin.u32 v9, v12;
	v10 =	vmin.u32 v10, v13;
	v9 =	vsub.s32 v8, v6  }
0x93: {  	v12 =	vsub.s32 $0x1, v12;
	v13 =	vsub.s32 $0x1, v10;
	v10 =	vsub.s32 $0x0, v11  }
.Ltmp7:
0x94: {  	vm0 =	vgt.s32 v12, $0x0;
	vm1 =	vgt.s32 v13, $0x0;
	v10 =	vmin.u32 v11, v10;
	(pc) =	sbr.rel @p0 .LBB2_8-.Ltmp7, $4  }
0x95: {  	v14 =	vsub.s32 $0x0, v9;
	v11 =	vnsel vm0, $0x0, v12;
	v13 =	vnsel vm1, $0x0, v13  }
0x96: {  	s20 =	sand.u32 $0x70, s23;
	s23 =	sand.u32 $0x7C00, s17;
	v16 =	vsub.s32 v8, v4;
	v12 =	vcvt.s32.f32 v11;
	v13 =	vcvt.s32.f32 v13  }
0x97: {  	s20 =	sor.u32 s20, s23;
	v17 =	vsub.s32 $0x0, v15;
	v18 =	vsub.s32 $0x0, v16;
	v11 =	vsub.s32 v8, v2  }
0x98: {  	v15 =	vmin.u32 v15, v17;
	v16 =	vmin.u32 v16, v18;
	[tilespmem:s20+$0x9080] =	vst v13;
	v13 =	vsub.s32 $0x0, v11  }
0x99: {  	v0 =	vsub.s32 $0x1, v16;
	v1 =	vmin.u32 v9, v14  }
0x9a: {  	v2 =	vsub.s32 v8, v5;
	v3 =	vsub.s32 $0x1, v15;
	v4 =	vsub.s32 $0x1, v10  }
0x9b: {  	v59 =	vmin.u32 v11, v13;
	v5 =	vsub.s32 $0x0, v2;
	vm0 =	vgt.s32 v3, $0x0  }
0x9c: {  	v1 =	vsub.s32 $0x1, v1;
	vm1 =	vgt.s32 v4, $0x0;
	vm14 =	vgt.s32 v0, $0x0  }
0x9d: {  	v2 =	vmin.u32 v2, v5;
	v3 =	vnsel vm0, $0x0, v3;
	vm13 =	vgt.s32 v1, $0x0  }
0x9e: {  	v5 =	vsub.s32 $0x1, v59;
	v0 =	vnsel vm14, $0x0, v0;
	v3 =	vcvt.s32.f32 v3  }
0x9f: {  	[tilespmem:s20+$0x9000] =	vst v12;
	v61 =	vnsel vm1, $0x0, v4;
	v1 =	vnsel vm13, $0x0, v1;
	v0 =	vcvt.s32.f32 v0  }
0xa0: {  	vm2 =	vgt.s32 v5, $0x0;
	v2 =	vsub.s32 $0x1, v2;
	v62 =	vcvt.s32.f32 v61;
	[tilespmem:s20+$0x9180] =	vst v3  }
0xa1: {  	v1 =	vcvt.s32.f32 v1;
	v5 =	vnsel vm2, $0x0, v5;
	vm15 =	vgt.s32 v2, $0x0;
	[tilespmem:s20+$0x9200] =	vst v0  }
.Ltmp8:
0xa2: {  	v60 =	vcvt.s32.f32 v5;
	v2 =	vnsel vm15, $0x0, v2;
	[tilespmem:s20+$0x9300] =	vst v62;
	(pc) =	sbr.rel .LBB2_10-.Ltmp8, $4  }
0xa3: {  	[tilespmem:s20+$0x9280] =	vst v1;
	v63 =	vcvt.s32.f32 v2  }
0xa4: {  	s17 =	sor.u32 $0x380, s18;
	s16 =	sshll.u32 s16, $0xC;
	[tilespmem:s20+$0x9100] =	vst v60  }
0xa5: {  	s16 =	sadd.s32 s2, s16;
	[tilespmem:s17+$0x9000] =	vst v63  }
0xa6: {  	[hbm4b:s16+s3] =	stream.linear.scatter [tilespmem:s11], [sflag:$0x2], $0x8000, $0x38;
	[tilespmem:$0x11000] =	vst v63  }
.LBB2_12:
0xa7: {  	_ =	sfence.sel $0x180000  }
0xa8: {  	[bflag:$0x0] =	sbarrier.arrive $0xFFFF  }
0xa9: {  	p0 =	sne.s32 s4, $0x0;
	_ =	strace $0x90000047  }
0xaa: {  	s0 =	sadd.s32 @!p0 $0x100000, s0;
	[bflag:$0x2] =	sbarrier.arrive $0xFFFF  }
0xab: {  	[sflag:s0] =	ssyncadd.tile.s32 @!p0 $0x1;
	_ =	shalt  }
.Lfunc_end2:
_tile_overlayer_lowered:
.L_overlay_start_2:
0xac: {  	(tag) =	ssettag $0x2  }
0xad: {  	s0 =	rddreg [dreg:$0x0];
	s2 =	stileid.u32  }
0xae: {  	s1 =	rddreg [dreg:$0x1];
	p0 =	sne.s32 s2, $0x0  }
0xaf: {  	s3 =	rddreg [dreg:$0x2];
	[bflag:$0x3] =	sbarrier.arrive $0xFFFF;
	s2 =	simm.s32 @!p0 $0x1C03  }
0xb0: {  	[timem:s3], [sflag:s2] =	dma.local @!p0 [hbm:s0], s1  }
0xb1: {  	s0 =	simm.s32 @!p0 $0x3  }
0xb2: {  	_ =	swait.ge @!p0 [sflag:s0], s1  }
0xb3: {  	s1 =	ssub.s32 @!p0 $0x0, s1;
	[sflag:s0] =	ssyncset.done @!p0 $0x0  }
0xb4: {  	[sflag:s0] =	ssyncadd.s32 @!p0 s1  }
0xb5: {  	[bflag:$0x3] =	sbarrier.arrive $0xFFFF  }
0xb6: {  	_ =	shalt  }

</sc_bundles>
